<compile_context>
chip_gen: v7x
topology: tpu7x:2x2x1
jax: 0.10.2.dev20260603
libtpu: 0.0.44.dev20260713+nightly
codegen_flags: <defaults>
</compile_context>

<pallas_src>
import jax
import jax.numpy as jnp
import numpy as np
from jax.experimental import pallas as pl

EPS = 1e-5


def _bn(x, g, be):
    return g * x / jnp.sqrt(1.0 + EPS) + be


def _apply_mlp(x, layers):
    for l in layers:
        x = jax.nn.relu(_bn(x @ l["W"].T + l["b"], l["g"], l["be"]))
    return x


def _index_points(points, idx):
    batch = jnp.arange(points.shape[0]).reshape((points.shape[0],) + (1,) * (idx.ndim - 1))
    return points[batch, idx]


def _fps(xyz, npoint):
    b, n, _ = xyz.shape
    def step(state, _):
        distance, farthest = state
        centroid = xyz[jnp.arange(b), farthest][:, None, :]
        dist = jnp.sum((xyz - centroid) ** 2, -1)
        distance = jnp.minimum(distance, dist)
        nf = jnp.argmax(distance, -1).astype(jnp.int32)
        return (distance, nf), farthest
    init = (jnp.full((b, n), 1e10, jnp.float32), jnp.zeros((b,), jnp.int32))
    _, cent = jax.lax.scan(step, init, None, length=npoint)
    return jnp.transpose(cent)


def _qbp(radius, nsample, xyz, new_xyz):
    n = xyz.shape[1]
    sqr = jnp.sum((new_xyz[:, :, None, :] - xyz[:, None, :, :]) ** 2, -1)
    idx = jnp.where(sqr > radius ** 2, n, jnp.arange(n)[None, None, :])
    idx = jnp.sort(idx, axis=-1)[:, :, :nsample]
    first = idx[:, :, :1]
    return jnp.where(idx == n, first, idx)


def _sa(xyz, points, npoint, radius, nsample, layers, group_all):
    if group_all:
        new_xyz = jnp.zeros((xyz.shape[0], 1, 3), jnp.float32)
        grouped = xyz[:, None, :, :]
        if points is not None:
            grouped = jnp.concatenate([grouped, points[:, None, :, :]], -1)
    else:
        fps_idx = _fps(xyz, npoint)
        new_xyz = _index_points(xyz, fps_idx)
        idx = _qbp(radius, nsample, xyz, new_xyz)
        grouped = _index_points(xyz, idx) - new_xyz[:, :, None, :]
        if points is not None:
            grouped = jnp.concatenate([grouped, _index_points(points, idx)], -1)
    feat = _apply_mlp(grouped, layers)
    return new_xyz, jnp.max(feat, axis=2)


def _touch_kernel(x_ref, o_ref):
    o_ref[...] = x_ref[...]


def kernel(xyz, params):
    coords = xyz[:, :, :3]
    norm = xyz[:, :, 3:]
    l1_xyz, l1_points = _sa(coords, norm, 512, 0.2, 32, params["sa1"], False)
    l2_xyz, l2_points = _sa(l1_xyz, l1_points, 128, 0.4, 64, params["sa2"], False)
    _, l3_points = _sa(l2_xyz, l2_points, None, None, None, params["sa3"], True)
    l3 = l3_points.reshape(xyz.shape[0], 1024)
    l3 = pl.pallas_call(
        _touch_kernel, out_shape=jax.ShapeDtypeStruct(l3.shape, l3.dtype)
    )(l3)
    h = jax.nn.relu(_bn(l3 @ params["fc1"]["W"].T + params["fc1"]["b"], params["fc1"]["g"], params["fc1"]["be"]))
    feat = jax.nn.relu(_bn(h @ params["fc2"]["W"].T + params["fc2"]["b"], params["fc2"]["g"], params["fc2"]["be"]))
    out = feat @ params["fc3"]["W"].T + params["fc3"]["b"]
    return (out, feat, l3)

# --- scband reference (transcript-rebuilt; emitter-appended) ---
"""Pipeline reference for scband-point-net2-43782896615733 (READ-ONLY COPY).

The authoritative reference and input builder live on the scoring server;
editing this copy changes nothing except your own understanding.
"""

import jax, jax.numpy as jnp
import numpy as np

B, N, CIN = 16, 1024, 6
EPS = 1e-5

def _layer(k, cin, cout):
    kw, _ = jax.random.split(k)
    return {"W": jax.random.normal(kw, (cout, cin), jnp.float32) / np.sqrt(cin),
            "b": jnp.zeros((cout,), jnp.float32),
            "g": jnp.ones((cout,), jnp.float32),
            "be": jnp.zeros((cout,), jnp.float32)}

def _mlp(k, chans):
    return [_layer(jax.random.fold_in(k, i), chans[i], chans[i + 1]) for i in range(len(chans) - 1)]

def make_params(key):
    p = {}
    p["sa1"] = _mlp(jax.random.fold_in(key, 1), [6, 64, 64, 128])
    p["sa2"] = _mlp(jax.random.fold_in(key, 2), [131, 128, 128, 256])
    p["sa3"] = _mlp(jax.random.fold_in(key, 3), [259, 256, 512, 1024])
    p["fc1"] = _layer(jax.random.fold_in(key, 4), 1024, 256)
    p["fc2"] = _layer(jax.random.fold_in(key, 5), 256, 64)
    k6, _ = jax.random.split(jax.random.fold_in(key, 6))
    p["fc3"] = {"W": jax.random.normal(k6, (2, 64), jnp.float32) / 8.0,
                "b": jnp.zeros((2,), jnp.float32)}
    return p

def setup_inputs(seed: int = 0):
    key = jax.random.key(seed)
    xyz = jax.random.uniform(jax.random.fold_in(key, 0), (B, N, CIN), jnp.float32)
    return {"xyz": xyz, "params": make_params(jax.random.fold_in(key, 7))}

def bn(x, g, be):
    return g * x / jnp.sqrt(1.0 + EPS) + be

def apply_mlp(x, layers):
    for l in layers:
        x = jax.nn.relu(bn(x @ l["W"].T + l["b"], l["g"], l["be"]))
    return x

def index_points(points, idx):
    batch = jnp.arange(points.shape[0]).reshape((points.shape[0],) + (1,) * (idx.ndim - 1))
    return points[batch, idx]

def farthest_point_sample(xyz, npoint):
    b, n, _ = xyz.shape
    def step(state, _):
        distance, farthest = state
        centroid = xyz[jnp.arange(b), farthest][:, None, :]
        dist = jnp.sum((xyz - centroid) ** 2, -1)
        distance = jnp.minimum(distance, dist)
        nf = jnp.argmax(distance, -1).astype(jnp.int32)
        return (distance, nf), farthest
    init = (jnp.full((b, n), 1e10, jnp.float32), jnp.zeros((b,), jnp.int32))
    _, cent = jax.lax.scan(step, init, None, length=npoint)
    return jnp.transpose(cent)

def query_ball_point(radius, nsample, xyz, new_xyz):
    n = xyz.shape[1]
    sqr = jnp.sum((new_xyz[:, :, None, :] - xyz[:, None, :, :]) ** 2, -1)
    idx = jnp.where(sqr > radius ** 2, n, jnp.arange(n)[None, None, :])
    idx = jnp.sort(idx, axis=-1)[:, :, :nsample]
    first = idx[:, :, :1]
    return jnp.where(idx == n, first, idx)

def set_abstraction(xyz, points, npoint, radius, nsample, layers, group_all):
    if group_all:
        new_xyz = jnp.zeros((xyz.shape[0], 1, 3), jnp.float32)
        grouped = xyz[:, None, :, :]
        if points is not None:
            grouped = jnp.concatenate([grouped, points[:, None, :, :]], -1)
    else:
        fps_idx = farthest_point_sample(xyz, npoint)
        new_xyz = index_points(xyz, fps_idx)
        idx = query_ball_point(radius, nsample, xyz, new_xyz)
        grouped = index_points(xyz, idx) - new_xyz[:, :, None, :]
        if points is not None:
            grouped = jnp.concatenate([grouped, index_points(points, idx)], -1)
    feat = apply_mlp(grouped, layers)
    return new_xyz, jnp.max(feat, axis=2)

def reference(xyz, params):
    coords = xyz[:, :, :3]
    norm = xyz[:, :, 3:]
    l1_xyz, l1_points = set_abstraction(coords, norm, 512, 0.2, 32, params["sa1"], False)
    l2_xyz, l2_points = set_abstraction(l1_xyz, l1_points, 128, 0.4, 64, params["sa2"], False)
    _, l3_points = set_abstraction(l2_xyz, l2_points, None, None, None, params["sa3"], True)
    l3 = l3_points.reshape(xyz.shape[0], 1024)
    h = jax.nn.relu(bn(l3 @ params["fc1"]["W"].T + params["fc1"]["b"], params["fc1"]["g"], params["fc1"]["be"]))
    feat = jax.nn.relu(bn(h @ params["fc2"]["W"].T + params["fc2"]["b"], params["fc2"]["g"], params["fc2"]["be"]))
    out = feat @ params["fc3"]["W"].T + params["fc3"]["b"]
    return (out, feat, l3)

if __name__ == "__main__":
    import jax
    _d = setup_inputs()
    print(jax.jit(kernel)(*tuple(_d.values())))

</pallas_src>

<mosaic_0001>
module attributes {stable_mosaic.version = 14 : i64} {
  func.func @_touch_kernel(%arg0: memref<16x1024xf32, #tpu.memory_space<vmem>>, %arg1: memref<16x1024xf32, #tpu.memory_space<vmem>>) attributes {dimension_semantics = [], scalar_prefetch = 0 : i64, scratch_operands = 0 : i64, tpu.core_type = #tpu.core_type<tc>} {
    %get3A = arith.constant 0 : index
    %get3A_0 = arith.constant 0 : index
    %get3A_1 = vector.load %arg0[%get3A, %get3A_0] : memref<16x1024xf32, #tpu.memory_space<vmem>>, vector<16x1024xf32>
    %swap3A = arith.constant 0 : index
    %swap3A_2 = arith.constant 0 : index
    %swap3A_3 = vector.load %arg1[%swap3A, %swap3A_2] : memref<16x1024xf32, #tpu.memory_space<vmem>>, vector<16x1024xf32>
    tpu.vector_store %arg1[%swap3A, %swap3A_2], %get3A_1 {strides = array<i32>} : memref<16x1024xf32, #tpu.memory_space<vmem>>, vector<16x1024xf32>,
    return
  }
}

</mosaic_0001>

<sc_bundles>
// kernel: gather_offload_async_start.1
scs
__scs_entry_jumppad:
0x0: {  	(pc) =	sbr.rel $0x88, $3  }
0x1: {  	(tag) =	ssettag $0x0;
	lr =	simm.s32 $0x1  }
0x2: {  	[smem:$0x3F72] =	sst lr;
	_ =	strace $0xD0000000  }
0x3: {  	_ = 	snop  }
0x4: {  	_ = 	snop  }
0x5: {  	_ = 	snop  }
0x6: {  	_ = 	snop  }
0x7: {  	_ = 	snop  }
__scs_overlays_trampoline_lowered:
0x8: {  	[smem:$0x3F81] =	sst s0  }
0x9: {  	[smem:$0x3F82] =	sst s1  }
0xa: {  	[smem:$0x3F83] =	sst s2  }
0xb: {  	[smem:$0x3F84] =	sst s3  }
0xc: {  	[smem:$0x3F85] =	sst s4  }
0xd: {  	[smem:$0x3F86] =	sst s5  }
0xe: {  	[smem:$0x3F87] =	sst s6  }
0xf: {  	[smem:$0x3F88] =	sst s7  }
0x10: {  	[smem:$0x3F89] =	sst s8  }
0x11: {  	[smem:$0x3F8A] =	sst s9;
	s0 =	simm.s32 @!p0 $0x0  }
0x12: {  	s1 =	sld [smem:$0x3F70];
	s0 =	simm.s32 @p0 $0x1  }
0x13: {  	[smem:$0x3F8B] =	sst s0;
	s0 =	simm.s32 @!p1 $0x0  }
0x14: {  	s2 =	sld [smem:$0x3F6F];
	s0 =	simm.s32 @p1 $0x1  }
0x15: {  	[smem:$0x3F8C] =	sst s0;
	s0 =	simm.s32 @!p2 $0x0  }
0x16: {  	s3 =	sld [smem:$0x3FDB];
	s0 =	simm.s32 @p2 $0x1  }
0x17: {  	s4 =	simm.s32 $0x1BF5;
	[smem:$0x3F8E] =	sst s0  }
0x18: {  	s0 =	sld [smem:$0x3F71];
	_ =	swait.ge [sflag:s4], $0x0  }
0x19: {  	s7 =	sld [smem:$0x3F72]  }
0x1a: {  	s8 =	sadd.s32 $0xFFFFE003, lr  }
0x1b: {  	s9 =	sadd.s32 $0xFFFFFEF7, lr;
	s5 =	simm.s32 $0xFFFFFFFF;
	p2 =	slt.u32 s8, $0xFFFFF086  }
0x1c: {  	p1 =	slt.u32 s9, $0xF7A;
	s5 =	simm.s32 @!p2 $0x0  }
0x1d: {  	s5 =	simm.s32 @p1 $0x1;
	p0 =	seq.s32 s7, s2  }
0x1e: {  	s7 =	smul.u32 @!p0 $0xF7A, s2;
	p2 =	seq.s32 @!p0 s5, $0x0  }
0x1f: {  	s9 =	smul.u32 $0xF7A, s1;
	s8 =	simm.s32 @!p0 $0x1BF5;
	p2 =	por !p2, p0  }
0x20: {  	[sflag:s8] =	ssyncset.s32 @!p0 $0xFFFFF086;
	s6 =	sadd.s32 @!p0 s3, s7;
	s7 =	simm.s32 @!p0 $0x108  }
0x21: {  	s3 =	sadd.s32 s3, s9;
	s6 =	sadd.s32 @!p0 $0x88, s6;
	s7 =	simm.s32 @p2 $0x1082  }
0x22: {  	[simem:s7], [sflag:s8] =	dma.local @!p0 [hbm:s6], $0xF7A  }
0x23: {  	s9 =	sor.u32 $0xD0000000, s2;
	s6 =	simm.s32 $0x108;
	_ =	swait.ge @!p0 [sflag:s8], $0x0  }
0x24: {  	s3 =	sadd.s32 $0x88, s3;
	s6 =	simm.s32 @!p1 $0x1082;
	[sflag:s4] =	ssyncset.s32 $0xFFFFF086  }
0x25: {  	[simem:s6], [sflag:s4] =	dma.local [hbm:s3], $0xF7A  }
0x26: {  	[smem:$0x3F72] =	sst s1;
	(tag) =	ssettag s2;
	_ =	strace s9  }
0x27: {  	s1 =	sld [smem:$0x3F82]  }
0x28: {  	s2 =	sld [smem:$0x3F83]  }
0x29: {  	s4 =	sld [smem:$0x3F85]  }
0x2a: {  	p0 =	seq.s32 s5, $0x0;
	s5 =	sld [smem:$0x3F86]  }
0x2b: {  	s6 =	sld [smem:$0x3F87]  }
0x2c: {  	s7 =	sld [smem:$0x3F88]  }
0x2d: {  	s3 =	simm.s32 $0x108;
	s8 =	sld [smem:$0x3F89]  }
0x2e: {  	s3 =	simm.s32 @!p0 $0x1082;
	s9 =	sld [smem:$0x3F8A]  }
0x2f: {  	lr =	sadd.s32 s0, s3;
	s0 =	sld [smem:$0x3F81]  }
0x30: {  	s3 =	sld [smem:$0x3F84]  }
0x31: {  	[smem:$0x3F8D] =	sst s10  }
0x32: {  	s10 =	sld [smem:$0x3F8B];
	_ =	sdelay $0x3  }
0x33: {  	p0 =	seq.s32 s10, $0x1;
	s10 =	sld [smem:$0x3F8D];
	_ =	sdelay $0x3  }
0x34: {  	[smem:$0x3F8D] =	sst s10  }
0x35: {  	s10 =	sld [smem:$0x3F8C];
	_ =	sdelay $0x3  }
0x36: {  	p1 =	seq.s32 s10, $0x1;
	s10 =	sld [smem:$0x3F8D];
	_ =	sdelay $0x3  }
0x37: {  	[smem:$0x3F8D] =	sst s10  }
0x38: {  	s10 =	sld [smem:$0x3F8E]  }
0x39: {  	_ = 	snop;
	(pc) =	sbr.ind lr, $3  }
0x3a: {  	_ = 	snop  }
0x3b: {  	_ = 	snop  }
0x3c: {  	p2 =	seq.s32 s10, $0x1;
	s10 =	sld [smem:$0x3F8D]  }
0x3d: {  	_ =	shalt  }
0x3e: {  	_ =	shalt  }
0x3f: {  	_ =	shalt  }
0x40: {  	_ =	shalt  }
0x41: {  	_ =	shalt  }
0x42: {  	_ =	shalt  }
0x43: {  	_ =	shalt  }
0x44: {  	_ =	shalt  }
0x45: {  	_ =	shalt  }
0x46: {  	_ =	shalt  }
0x47: {  	_ =	shalt  }
0x48: {  	_ =	shalt  }
0x49: {  	_ =	shalt  }
0x4a: {  	_ =	shalt  }
0x4b: {  	_ =	shalt  }
0x4c: {  	_ =	shalt  }
0x4d: {  	_ =	shalt  }
0x4e: {  	_ =	shalt  }
0x4f: {  	_ =	shalt  }
0x50: {  	_ =	shalt  }
0x51: {  	_ =	shalt  }
0x52: {  	_ =	shalt  }
0x53: {  	_ =	shalt  }
0x54: {  	_ =	shalt  }
0x55: {  	_ =	shalt  }
0x56: {  	_ =	shalt  }
0x57: {  	_ =	shalt  }
0x58: {  	_ =	shalt  }
0x59: {  	_ =	shalt  }
0x5a: {  	_ =	shalt  }
0x5b: {  	_ =	shalt  }
0x5c: {  	_ =	shalt  }
0x5d: {  	_ =	shalt  }
0x5e: {  	_ =	shalt  }
0x5f: {  	_ =	shalt  }
0x60: {  	_ =	shalt  }
0x61: {  	_ =	shalt  }
0x62: {  	_ =	shalt  }
0x63: {  	_ =	shalt  }
0x64: {  	_ =	shalt  }
0x65: {  	_ =	shalt  }
0x66: {  	_ =	shalt  }
0x67: {  	_ =	shalt  }
0x68: {  	_ =	shalt  }
0x69: {  	_ =	shalt  }
0x6a: {  	_ =	shalt  }
0x6b: {  	_ =	shalt  }
0x6c: {  	_ =	shalt  }
0x6d: {  	_ =	shalt  }
0x6e: {  	_ =	shalt  }
0x6f: {  	_ =	shalt  }
0x70: {  	_ =	shalt  }
0x71: {  	_ =	shalt  }
0x72: {  	_ =	shalt  }
0x73: {  	_ =	shalt  }
0x74: {  	_ =	shalt  }
0x75: {  	_ =	shalt  }
0x76: {  	_ =	shalt  }
0x77: {  	_ =	shalt  }
0x78: {  	_ =	shalt  }
0x79: {  	_ =	shalt  }
0x7a: {  	_ =	shalt  }
0x7b: {  	_ =	shalt  }
0x7c: {  	_ =	shalt  }
0x7d: {  	_ =	shalt  }
0x7e: {  	_ =	shalt  }
0x7f: {  	_ =	shalt  }
0x80: {  	_ =	shalt  }
0x81: {  	_ =	shalt  }
0x82: {  	_ =	shalt  }
0x83: {  	_ =	shalt  }
0x84: {  	_ =	shalt  }
0x85: {  	_ =	shalt  }
0x86: {  	_ =	shalt  }
0x87: {  	_ =	shalt  }
.Lfunc_end0:
.L_simem_size_0:
called_computation.3_lowered:
.L_overlay_start_0:
0x88: {  	s2 =	sld [smem:$0x3FD9]  }
0x89: {  	s3 =	sld [smem:$0x3FFE];
	_ =	sdelay $0x1  }
0x8a: {  	s1 =	srdreg.scid  }
0x8b: {  	s0 =	sand.u32 $0x1, s1  }
0x8c: {  	s14 =	sshll.u32 s0, $0xA;
	s2 =	sadd.s32 s3, s2  }
0x8d: {  	s2 =	sadd.s32 s2, s14  }
0x8e: {  	[smem:$0x3F99] =	sst s2  }
0x8f: {  	_ = 	snop  }
0x90: {  	s2 =	sld [smem:$0x3FD0];
	_ =	sdelay $0x2  }
0x91: {  	s15 =	simm.s32 $0xB;
	s4 =	simm.s32 $0x10  }
0x92: {  	[smem:s4], [sflag:s15] =	dma.local [hbm:s2], $0x1  }
0x93: {  	_ =	swait.eq [sflag:s15], $0x1  }
0x94: {  	[sflag:s15] =	ssyncset.done $0x0  }
0x95: {  	[sflag:s15] =	ssyncadd.s32 $0xFFFFFFFF  }
0x96: {  	s16 =	sld [smem:$0x11];
	(tm) =	ssettm $0x1  }
0x97: {  	s17 =	sld [smem:$0x3FFB];
	_ =	sdelay $0x3  }
0x98: {  	_ =	strace s17  }
0x99: {  	s3 =	sld [smem:$0x3FFC];
	_ =	sdelay $0x3  }
0x9a: {  	_ =	strace s3  }
0x9b: {  	s3 =	sld [smem:$0x3FFD];
	_ =	sdelay $0x3  }
0x9c: {  	_ =	strace s3  }
0x9d: {  	_ =	strace $0x8FFFFFFF  }
0x9e: {  	s18 =	sld [smem:$0x3FDB];
	_ =	sdelay $0x1  }
0x9f: {  	s19 =	simm.s32 $_scs_section_size  }
0xa0: {  	s5 =	simm.s32 $_size__tile_overlayer_lowered;
	s6 =	simm.s32 $_tile_overlayer_lowered  }
0xa1: {  	s22 =	simm.s32 $0x1BFF;
	s21 =	sshll.u32 s6, $0x1;
	s3 =	sadd.s32 s19, s18  }
0xa2: {  	s7 =	simm.s32 $0x0;
	s20 =	sshll.u32 s5, $0x1;
	s5 =	sadd.s32 s21, s3  }
0xa3: {  	[timem:s7], [sflag:s22] =	dma.local [hbm:s5], s20  }
0xa4: {  	_ =	swait.ge [sflag:s22], s20  }
0xa5: {  	s4 =	ssub.s32 $0x0, s20;
	[sflag:s22] =	ssyncset.done $0x0  }
0xa6: {  	[sflag:s22] =	ssyncadd.s32 s4;
	_ =	sdelay $0x1  }
0xa7: {  	s23 =	simm.s32 $0x1B8B  }
0xa8: {  	_ =	swait.ge [sflag:s23], $0x1  }
0xa9: {  	[sflag:s23] =	ssyncset.done $0x0  }
0xaa: {  	s25 =	simm.s32 $0x1B8E;
	s24 =	sld [smem:$0x3FFE];
	[sflag:s23] =	ssyncadd.s32 $0xFFFFFFFF  }
0xab: {  	s26 =	simm.s32 $execute0_lowered;
	[smem:$0x3FD2] =	sst s25  }
0xac: {  	s5 =	sshll.u32 s26, $0x1;
	_ =	strace $0x80000049;
	[dreg:$0x1] =	wrdreg $0xFFFFFFFF  }
0xad: {  	s28 =	simm.s32 $_size_execute0_lowered;
	s3 =	sadd.s32 s3, s5;
	[dreg:$0x0] =	wrdreg $0x0  }
0xae: {  	s5 =	sshll.u32 s28, $0x1;
	[dreg:$0x2] =	wrdreg s3  }
0xaf: {  	[dreg:$0x3] =	wrdreg s5  }
0xb0: {  	[dreg:$0x4] =	wrdreg $0xC0  }
0xb1: {  	_ =	task [dreg:s7], $0x5FFFF  }
0xb2: {  	[dreg:$0x1] =	wrdreg $0xFFFFFFFF  }
0xb3: {  	[dreg:$0x0] =	wrdreg $0x60  }
0xb4: {  	[dreg:$0x2] =	wrdreg s24  }
0xb5: {  	[dreg:$0x3] =	wrdreg s16  }
0xb6: {  	[dreg:$0x4] =	wrdreg $0xA  }
0xb7: {  	_ =	task.clear_ibuf [dreg:s7], $0x5FFFF;
	_ =	strace $0x90000049  }
0xb8: {  	s29 =	simm.s32 $0xA;
	_ =	strace $0x8000004B  }
0xb9: {  	_ =	swait.ge [sflag:s29], $0x1  }
0xba: {  	[sflag:s29] =	ssyncadd.s32 $0xFFFFFFFF  }
0xbb: {  	_ =	strace $0x9000004B  }
0xbc: {  	_ =	sfence  }
0xbd: {  	s30 =	sld [smem:$0x0];
	_ =	sdelay $0x2  }
0xbe: {  	s31 =	sshll.u32 s1, $0xD;
	s1 =	sshrl.u32 s1, $0x2  }
0xbf: {  	s3 =	sand.u32 $0x4000, s31;
	s1 =	sadd.s32 s1, s30  }
0xc0: {  	s0 =	sor.u32 s3, s0;
	s1 =	sshll.u32 s1, $0x11  }
0xc1: {  	s0 =	sor.u32 s1, s0  }
0xc2: {  	s0 =	sadd.s32 $0x8F2B, s0  }
0xc3: {  	[sflag:s0] =	ssyncadd.remote.s32 $0x1  }
0xc4: {  	_ =	sfence.sel $0xFFFF  }
0xc5: {  	[dreg:$0x0] =	wrdreg $0xFFFFFFFF;
	(pc) =	sbr.abs _section_cstart, $3  }
0xc6: {  	[dreg:$0x1] =	wrdreg $0xFFFFFFFF  }
0xc7: {  	_ =	task.clear_ibuf [dreg:s7], $0x2FFFF;
	_ =	strace $0x9FFFFFFF  }
0xc8: {  	(tm) =	ssettm $0x7FFFFFFF  }
0xc9: {  	_ =	shalt  }
tec
execute0_lowered:
.L_overlay_start_1:
0x0: {  	(tag) =	ssettag $0x1  }
0x1: {  	s7 =	rddreg [dreg:$0x0]  }
0x2: {  	s2 =	rddreg [dreg:$0x1]  }
0x3: {  	s0 =	rddreg [dreg:$0x2]  }
0x4: {  	s1 =	srdreg.scid;
	_ =	strace $0x8000004A;
	s4 =	simm.s32 $0x1  }
0x5: {  	s9 =	simm.s32 $0x3;
	s12 =	simm.s32 $0x0;
	s5 =	sshll.u32 s1, $0x4  }
.Ltmp0:
0x6: {  	s1 =	stileid.u32;
	s5 =	sand.u32 $0x10, s5;
	(pc) =	sbr.rel .LBB2_1-.Ltmp0, $4  }
0x7: {  	s10 =	simm.s32 $0x0;
	s3 =	sadd.s32 $0x40200, s7;
	s6 =	sor.u32 s1, s5  }
0x8: {  	[sflag:s4] =	ssyncpa.u1 $0x0;
	s5 =	simm.s32 $0x2;
	s6 =	sshll.u32 s6, $0x6  }
0x9: {  	s7 =	sadd.s32 $0x161200, s7;
	[sflag:s5] =	ssyncpa.u1 $0x0;
	s8 =	sadd.s32 $0x40, s6  }
0xa: {  	vm0 =	vmmov $0xff;
	vm1 =	vcmask $0x3F20;
	[sflag:s9] =	ssyncpa.u1 $0x0;
	s9 =	simm.s32 $0x40;
	s11 =	smov.u32 s6  }
.LBB2_9:
0xb: {  	p0 =	seq.s32 s10, $0x2  }
.Ltmp1:
0xc: {  	_ = 	snop;
	(pc) =	sbr.rel @p0 .LBB2_11-.Ltmp1, $1  }
0xd: {  	_ =	sdelay $0x3  }
.LBB2_10:
0xe: {  	s12 =	sadd.s32 $0x40, s11  }
0xf: {  	s13 =	smov.u32 s6;
	p0 =	slt.s32 s12, s8  }
0x10: {  	s13 =	smov.u32 @p0 s12  }
0x11: {  	s10 =	sadd.s32 $0x1, s10;
	s12 =	smov.u32 s11;
	s11 =	smov.u32 s13  }
.LBB2_1:
0x12: {  	p0 =	sne.s32 s10, $0x0  }
.Ltmp2:
0x13: {  	_ = 	snop;
	(pc) =	sbr.rel @!p0 .LBB2_2-.Ltmp2, $1  }
0x14: {  	_ =	sdelay $0x3  }
0x15: {  	s13 =	sand.u32 $0x1, s10  }
0x16: {  	p0 =	seq.s32 s13, $0x0  }
.Ltmp3:
0x17: {  	_ = 	snop;
	(pc) =	sbr.rel @p0 .LBB2_9-.Ltmp3, $1  }
0x18: {  	_ =	sdelay $0x3  }
0x19: {  	_ =	swait.ge [sflag:s5], $0x40  }
0x1a: {  	[sflag:s5] =	ssyncset.done $0x0  }
0x1b: {  	s13 =	simm.s32 $0x0;
	[sflag:s5] =	ssyncadd.s32 $0xFFFFFFC0  }
0x1c: {  	v0 =	vld.msk [tilespmem:s13+$0x40 ss:$0x1], $0xffff;
	_ =	sdelay $0x4  }
0x1d: {  	v1 =	vshll.u32 v0, $0x3  }
0x1e: {  	vm2 =	veq.s32 v0, $0x80000000;
	v0 =	vshll.u32 v0, $0x10;
	v1 =	vand.u32 $0xFF80, v1  }
0x1f: {  	v0 =	vand.u32 $0xF0000, v0;
	v1 =	vsel vm2, $0xFFFFFF80, v1  }
0x20: {  	v0 =	vsel vm2, $0xFFFF0000, v0;
	v2 =	vand.u32 $0xFFFFFC00, v1  }
0x21: {  	v1 =	vand.u32 $0x380, v1;
	v0 =	vadd.s32 v0, v2  }
0x22: {  	v0 =	vor.u32 v1, v0  }
0x23: {  	v0 =	vshrl.u32 v0, $0x3;
	_ =	sdelay $0x3  }
0x24: {  	s13 =	simm.s32 $0x2080  }
0x25: {  	[tilespmem:s13], [sflag:$0x1] =	stream.indirect_vreg.gather [hbm:s3], $0x80, v0, vm0, $0x38;
	[tilespmem:$0x4080] =	vst v63  }
0x26: {  	s14 =	simm.s32 $0x2480;
	s31 =	simm.s32 $0x10  }
0x27: {  	[tilespmem:s14], [sflag:$0x1] =	stream.indirect_vreg.gather [hbm:s3], $0x80, v0, vm1, $0x38;
	[tilespmem:$0x4080] =	vst v63  }
0x28: {  	s14 =	simm.s32 $0x80;
	v0 =	vld.msk [tilespmem:s31+$0x40 ss:$0x1], $0xffff  }
.LBB2_5:
0x29: {  	p0 =	sne.s32 s14, $0xC0;
	_ =	sdelay $0x4  }
0x2a: {  	v1 =	vshll.u32 v0, $0x3  }
0x2b: {  	vm2 =	veq.s32 v0, $0x80000000;
	v0 =	vshll.u32 v0, $0x10;
	v1 =	vand.u32 $0xFF80, v1  }
0x2c: {  	v0 =	vand.u32 $0xF0000, v0;
	v1 =	vsel vm2, $0xFFFFFF80, v1  }
0x2d: {  	v0 =	vsel vm2, $0xFFFF0000, v0;
	v2 =	vand.u32 $0xFFFFFC00, v1  }
0x2e: {  	v1 =	vand.u32 $0x380, v1;
	v0 =	vadd.s32 v0, v2  }
0x2f: {  	v0 =	vor.u32 v1, v0  }
0x30: {  	v0 =	vshrl.u32 v0, $0x3;
	_ =	sdelay $0x3  }
.Ltmp4:
0x31: {  	s13 =	sadd.s32 $0x800, s13;
	(pc) =	sbr.rel @p0 .LBB2_5-.Ltmp4, $4  }
0x32: {  	[tilespmem:s13], [sflag:$0x1] =	stream.indirect_vreg.gather [hbm:s3], $0x80, v0, vm0, $0x38;
	[tilespmem:$0x4080] =	vst v63  }
0x33: {  	s15 =	sshra.s32 s14, $0x2;
	s16 =	sadd.s32 $0x400, s13  }
0x34: {  	[tilespmem:s16], [sflag:$0x1] =	stream.indirect_vreg.gather [hbm:s3], $0x80, v0, vm1, $0x38;
	[tilespmem:$0x4080] =	vst v63  }
0x35: {  	s14 =	sadd.s32 $0x40, s14;
	v0 =	vld.msk [tilespmem:s15+$0x40 ss:$0x1], $0xffff  }
0x36: {  	_ =	sdelay $0x3  }
0x37: {  	v1 =	vshll.u32 v0, $0x3  }
0x38: {  	vm2 =	veq.s32 v0, $0x80000000;
	v63 =	vshll.u32 v0, $0x10;
	v1 =	vand.u32 $0xFF80, v1  }
0x39: {  	v0 =	vand.u32 $0xF0000, v63;
	v1 =	vsel vm2, $0xFFFFFF80, v1  }
0x3a: {  	v0 =	vsel vm2, $0xFFFF0000, v0;
	v2 =	vand.u32 $0xFFFFFC00, v1  }
0x3b: {  	v1 =	vand.u32 $0x380, v1;
	v0 =	vadd.s32 v0, v2  }
0x3c: {  	v0 =	vor.u32 v1, v0  }
0x3d: {  	v0 =	vshrl.u32 v0, $0x3;
	_ =	sdelay $0x3  }
0x3e: {  	s13 =	sadd.s32 $0x800, s13  }
0x3f: {  	[tilespmem:s13], [sflag:$0x1] =	stream.indirect_vreg.gather [hbm:s3], $0x80, v0, vm0, $0x38;
	[tilespmem:$0x4080] =	vst v63  }
0x40: {  	s13 =	sadd.s32 $0x400, s13  }
0x41: {  	[tilespmem:s13], [sflag:$0x1] =	stream.indirect_vreg.gather [hbm:s3], $0x80, v0, vm1, $0x38;
	[tilespmem:$0x4080] =	vst v63  }
0x42: {  	s12 =	sshll.u32 s12, $0x4;
	s14 =	simm.s32 $0x80;
	_ =	swait.ge [sflag:s4], $0x2000  }
0x43: {  	s15 =	simm.s32 $0x2480;
	s12 =	sadd.s32 s12, s7;
	[sflag:s4] =	ssyncset.done $0x0  }
0x44: {  	s16 =	sadd.s32 $0x0, s12;
	s13 =	simm.s32 $0x2080;
	[sflag:s4] =	ssyncadd.s32 $0xFFFFE000  }
.LBB2_7:
0x45: {  	[hbm:s16] =	stream.linear.scatter [tilespmem:s13], [sflag:$0x3], $0x400, $0x38;
	[tilespmem:$0x4080] =	vst v63  }
0x46: {  	s16 =	smov.u32 s14;
	s13 =	smov.u32 s15;
	p0 =	sne.s32 s14, $0x380  }
.Ltmp5:
0x47: {  	s14 =	sadd.s32 $0x80, s14;
	(pc) =	sbr.rel @p0 .LBB2_7-.Ltmp5, $2  }
0x48: {  	_ =	sdelay $0x2  }
0x49: {  	s15 =	sadd.s32 $0x400, s15;
	s16 =	sadd.s32 s16, s12  }
.Ltmp6:
0x4a: {  	(pc) =	sbr.rel .LBB2_9-.Ltmp6, $2  }
0x4b: {  	_ =	sdelay $0x2  }
0x4c: {  	[hbm:s16] =	stream.linear.scatter [tilespmem:s13], [sflag:$0x3], $0x400, $0x38;
	[tilespmem:$0x4080] =	vst v63  }
.LBB2_2:
.Ltmp7:
0x4d: {  	(pc) =	sbr.rel .LBB2_10-.Ltmp7, $4  }
0x4e: {  	_ = 	snop  }
0x4f: {  	s12 =	sshrl.u32 s11, $0x3  }
0x50: {  	s13 =	sand.u32 $0x7, s11;
	s12 =	sadd.s32 s2, s12  }
0x51: {  	[tilespmem:s9], [sflag:$0x2] =	stream.linear.gather [hbm4b:s12+s13], $0x40, $0x38;
	[tilespmem:$0x4080] =	vst v63  }
.LBB2_11:
0x52: {  	s2 =	simm.s32 $0x3  }
0x53: {  	_ =	swait.ge [sflag:s2], $0x2000  }
0x54: {  	[sflag:s2] =	ssyncset.done $0x0  }
0x55: {  	[sflag:s2] =	ssyncadd.s32 $0xFFFFE000  }
0x56: {  	_ =	sfence.sel $0x180000  }
0x57: {  	s3 =	simm.s32 $0x2;
	[bflag:$0x0] =	sbarrier.arrive $0xFFFF  }
0x58: {  	[sflag:s3] =	ssyncpa.u1 $0x1  }
0x59: {  	s31 =	simm.s32 $0x1;
	[sflag:s2] =	ssyncpa.u1 $0x1  }
0x5a: {  	[sflag:s31] =	ssyncpa.u1 $0x1  }
0x5b: {  	p0 =	sne.s32 s1, $0x0;
	_ =	strace $0x9000004A  }
0x5c: {  	s0 =	sadd.s32 @!p0 $0x100000, s0;
	[bflag:$0x2] =	sbarrier.arrive $0xFFFF  }
0x5d: {  	[sflag:s0] =	ssyncadd.tile.s32 @!p0 $0x1;
	_ =	shalt  }
.Lfunc_end2:
_tile_overlayer_lowered:
.L_overlay_start_2:
0x5e: {  	(tag) =	ssettag $0x2  }
0x5f: {  	s0 =	rddreg [dreg:$0x0];
	s2 =	stileid.u32  }
0x60: {  	s1 =	rddreg [dreg:$0x1];
	p0 =	sne.s32 s2, $0x0  }
0x61: {  	s3 =	rddreg [dreg:$0x2];
	[bflag:$0x3] =	sbarrier.arrive $0xFFFF;
	s2 =	simm.s32 @!p0 $0x1C01  }
0x62: {  	[timem:s3], [sflag:s2] =	dma.local @!p0 [hbm:s0], s1  }
0x63: {  	s0 =	simm.s32 @!p0 $0x1  }
0x64: {  	_ =	swait.ge @!p0 [sflag:s0], s1  }
0x65: {  	s1 =	ssub.s32 @!p0 $0x0, s1;
	[sflag:s0] =	ssyncset.done @!p0 $0x0  }
0x66: {  	[sflag:s0] =	ssyncadd.s32 @!p0 s1  }
0x67: {  	[bflag:$0x3] =	sbarrier.arrive $0xFFFF  }
0x68: {  	_ =	shalt  }

// kernel: gather_offload_async_start
scs
__scs_entry_jumppad:
0x0: {  	(pc) =	sbr.rel $0x88, $3  }
0x1: {  	(tag) =	ssettag $0x0;
	lr =	simm.s32 $0x1  }
0x2: {  	[smem:$0x3F72] =	sst lr;
	_ =	strace $0xD0000000  }
0x3: {  	_ = 	snop  }
0x4: {  	_ = 	snop  }
0x5: {  	_ = 	snop  }
0x6: {  	_ = 	snop  }
0x7: {  	_ = 	snop  }
__scs_overlays_trampoline_lowered:
0x8: {  	[smem:$0x3F81] =	sst s0  }
0x9: {  	[smem:$0x3F82] =	sst s1  }
0xa: {  	[smem:$0x3F83] =	sst s2  }
0xb: {  	[smem:$0x3F84] =	sst s3  }
0xc: {  	[smem:$0x3F85] =	sst s4  }
0xd: {  	[smem:$0x3F86] =	sst s5  }
0xe: {  	[smem:$0x3F87] =	sst s6  }
0xf: {  	[smem:$0x3F88] =	sst s7  }
0x10: {  	[smem:$0x3F89] =	sst s8  }
0x11: {  	[smem:$0x3F8A] =	sst s9;
	s0 =	simm.s32 @!p0 $0x0  }
0x12: {  	s1 =	sld [smem:$0x3F70];
	s0 =	simm.s32 @p0 $0x1  }
0x13: {  	[smem:$0x3F8B] =	sst s0;
	s0 =	simm.s32 @!p1 $0x0  }
0x14: {  	s2 =	sld [smem:$0x3F6F];
	s0 =	simm.s32 @p1 $0x1  }
0x15: {  	[smem:$0x3F8C] =	sst s0;
	s0 =	simm.s32 @!p2 $0x0  }
0x16: {  	s3 =	sld [smem:$0x3FDB];
	s0 =	simm.s32 @p2 $0x1  }
0x17: {  	s4 =	simm.s32 $0x1BF5;
	[smem:$0x3F8E] =	sst s0  }
0x18: {  	s0 =	sld [smem:$0x3F71];
	_ =	swait.ge [sflag:s4], $0x0  }
0x19: {  	s7 =	sld [smem:$0x3F72]  }
0x1a: {  	s8 =	sadd.s32 $0xFFFFE003, lr  }
0x1b: {  	s9 =	sadd.s32 $0xFFFFFEF7, lr;
	s5 =	simm.s32 $0xFFFFFFFF;
	p2 =	slt.u32 s8, $0xFFFFF086  }
0x1c: {  	p1 =	slt.u32 s9, $0xF7A;
	s5 =	simm.s32 @!p2 $0x0  }
0x1d: {  	s5 =	simm.s32 @p1 $0x1;
	p0 =	seq.s32 s7, s2  }
0x1e: {  	s7 =	smul.u32 @!p0 $0xF7A, s2;
	p2 =	seq.s32 @!p0 s5, $0x0  }
0x1f: {  	s9 =	smul.u32 $0xF7A, s1;
	s8 =	simm.s32 @!p0 $0x1BF5;
	p2 =	por !p2, p0  }
0x20: {  	[sflag:s8] =	ssyncset.s32 @!p0 $0xFFFFF086;
	s6 =	sadd.s32 @!p0 s3, s7;
	s7 =	simm.s32 @!p0 $0x108  }
0x21: {  	s3 =	sadd.s32 s3, s9;
	s6 =	sadd.s32 @!p0 $0x88, s6;
	s7 =	simm.s32 @p2 $0x1082  }
0x22: {  	[simem:s7], [sflag:s8] =	dma.local @!p0 [hbm:s6], $0xF7A  }
0x23: {  	s9 =	sor.u32 $0xD0000000, s2;
	s6 =	simm.s32 $0x108;
	_ =	swait.ge @!p0 [sflag:s8], $0x0  }
0x24: {  	s3 =	sadd.s32 $0x88, s3;
	s6 =	simm.s32 @!p1 $0x1082;
	[sflag:s4] =	ssyncset.s32 $0xFFFFF086  }
0x25: {  	[simem:s6], [sflag:s4] =	dma.local [hbm:s3], $0xF7A  }
0x26: {  	[smem:$0x3F72] =	sst s1;
	(tag) =	ssettag s2;
	_ =	strace s9  }
0x27: {  	s1 =	sld [smem:$0x3F82]  }
0x28: {  	s2 =	sld [smem:$0x3F83]  }
0x29: {  	s4 =	sld [smem:$0x3F85]  }
0x2a: {  	p0 =	seq.s32 s5, $0x0;
	s5 =	sld [smem:$0x3F86]  }
0x2b: {  	s6 =	sld [smem:$0x3F87]  }
0x2c: {  	s7 =	sld [smem:$0x3F88]  }
0x2d: {  	s3 =	simm.s32 $0x108;
	s8 =	sld [smem:$0x3F89]  }
0x2e: {  	s3 =	simm.s32 @!p0 $0x1082;
	s9 =	sld [smem:$0x3F8A]  }
0x2f: {  	lr =	sadd.s32 s0, s3;
	s0 =	sld [smem:$0x3F81]  }
0x30: {  	s3 =	sld [smem:$0x3F84]  }
0x31: {  	[smem:$0x3F8D] =	sst s10  }
0x32: {  	s10 =	sld [smem:$0x3F8B];
	_ =	sdelay $0x3  }
0x33: {  	p0 =	seq.s32 s10, $0x1;
	s10 =	sld [smem:$0x3F8D];
	_ =	sdelay $0x3  }
0x34: {  	[smem:$0x3F8D] =	sst s10  }
0x35: {  	s10 =	sld [smem:$0x3F8C];
	_ =	sdelay $0x3  }
0x36: {  	p1 =	seq.s32 s10, $0x1;
	s10 =	sld [smem:$0x3F8D];
	_ =	sdelay $0x3  }
0x37: {  	[smem:$0x3F8D] =	sst s10  }
0x38: {  	s10 =	sld [smem:$0x3F8E]  }
0x39: {  	_ = 	snop;
	(pc) =	sbr.ind lr, $3  }
0x3a: {  	_ = 	snop  }
0x3b: {  	_ = 	snop  }
0x3c: {  	p2 =	seq.s32 s10, $0x1;
	s10 =	sld [smem:$0x3F8D]  }
0x3d: {  	_ =	shalt  }
0x3e: {  	_ =	shalt  }
0x3f: {  	_ =	shalt  }
0x40: {  	_ =	shalt  }
0x41: {  	_ =	shalt  }
0x42: {  	_ =	shalt  }
0x43: {  	_ =	shalt  }
0x44: {  	_ =	shalt  }
0x45: {  	_ =	shalt  }
0x46: {  	_ =	shalt  }
0x47: {  	_ =	shalt  }
0x48: {  	_ =	shalt  }
0x49: {  	_ =	shalt  }
0x4a: {  	_ =	shalt  }
0x4b: {  	_ =	shalt  }
0x4c: {  	_ =	shalt  }
0x4d: {  	_ =	shalt  }
0x4e: {  	_ =	shalt  }
0x4f: {  	_ =	shalt  }
0x50: {  	_ =	shalt  }
0x51: {  	_ =	shalt  }
0x52: {  	_ =	shalt  }
0x53: {  	_ =	shalt  }
0x54: {  	_ =	shalt  }
0x55: {  	_ =	shalt  }
0x56: {  	_ =	shalt  }
0x57: {  	_ =	shalt  }
0x58: {  	_ =	shalt  }
0x59: {  	_ =	shalt  }
0x5a: {  	_ =	shalt  }
0x5b: {  	_ =	shalt  }
0x5c: {  	_ =	shalt  }
0x5d: {  	_ =	shalt  }
0x5e: {  	_ =	shalt  }
0x5f: {  	_ =	shalt  }
0x60: {  	_ =	shalt  }
0x61: {  	_ =	shalt  }
0x62: {  	_ =	shalt  }
0x63: {  	_ =	shalt  }
0x64: {  	_ =	shalt  }
0x65: {  	_ =	shalt  }
0x66: {  	_ =	shalt  }
0x67: {  	_ =	shalt  }
0x68: {  	_ =	shalt  }
0x69: {  	_ =	shalt  }
0x6a: {  	_ =	shalt  }
0x6b: {  	_ =	shalt  }
0x6c: {  	_ =	shalt  }
0x6d: {  	_ =	shalt  }
0x6e: {  	_ =	shalt  }
0x6f: {  	_ =	shalt  }
0x70: {  	_ =	shalt  }
0x71: {  	_ =	shalt  }
0x72: {  	_ =	shalt  }
0x73: {  	_ =	shalt  }
0x74: {  	_ =	shalt  }
0x75: {  	_ =	shalt  }
0x76: {  	_ =	shalt  }
0x77: {  	_ =	shalt  }
0x78: {  	_ =	shalt  }
0x79: {  	_ =	shalt  }
0x7a: {  	_ =	shalt  }
0x7b: {  	_ =	shalt  }
0x7c: {  	_ =	shalt  }
0x7d: {  	_ =	shalt  }
0x7e: {  	_ =	shalt  }
0x7f: {  	_ =	shalt  }
0x80: {  	_ =	shalt  }
0x81: {  	_ =	shalt  }
0x82: {  	_ =	shalt  }
0x83: {  	_ =	shalt  }
0x84: {  	_ =	shalt  }
0x85: {  	_ =	shalt  }
0x86: {  	_ =	shalt  }
0x87: {  	_ =	shalt  }
.Lfunc_end0:
.L_simem_size_0:
called_computation.2_lowered:
.L_overlay_start_0:
0x88: {  	s2 =	sld [smem:$0x3FD9]  }
0x89: {  	s3 =	sld [smem:$0x3FFE];
	_ =	sdelay $0x1  }
0x8a: {  	s1 =	srdreg.scid  }
0x8b: {  	s0 =	sand.u32 $0x1, s1  }
0x8c: {  	s14 =	sshll.u32 s0, $0xA;
	s2 =	sadd.s32 s3, s2  }
0x8d: {  	s2 =	sadd.s32 s2, s14  }
0x8e: {  	[smem:$0x3F99] =	sst s2  }
0x8f: {  	_ = 	snop  }
0x90: {  	s2 =	sld [smem:$0x3FD0];
	_ =	sdelay $0x2  }
0x91: {  	s15 =	simm.s32 $0xB;
	s4 =	simm.s32 $0x10  }
0x92: {  	[smem:s4], [sflag:s15] =	dma.local [hbm:s2], $0x1  }
0x93: {  	_ =	swait.eq [sflag:s15], $0x1  }
0x94: {  	[sflag:s15] =	ssyncset.done $0x0  }
0x95: {  	[sflag:s15] =	ssyncadd.s32 $0xFFFFFFFF  }
0x96: {  	s16 =	sld [smem:$0x12];
	(tm) =	ssettm $0x1  }
0x97: {  	s17 =	sld [smem:$0x3FFB];
	_ =	sdelay $0x3  }
0x98: {  	_ =	strace s17  }
0x99: {  	s3 =	sld [smem:$0x3FFC];
	_ =	sdelay $0x3  }
0x9a: {  	_ =	strace s3  }
0x9b: {  	s3 =	sld [smem:$0x3FFD];
	_ =	sdelay $0x3  }
0x9c: {  	_ =	strace s3  }
0x9d: {  	_ =	strace $0x8FFFFFFF  }
0x9e: {  	s18 =	sld [smem:$0x3FDB];
	_ =	sdelay $0x1  }
0x9f: {  	s19 =	simm.s32 $_scs_section_size  }
0xa0: {  	s5 =	simm.s32 $_size__tile_overlayer_lowered;
	s6 =	simm.s32 $_tile_overlayer_lowered  }
0xa1: {  	s22 =	simm.s32 $0x1BFF;
	s21 =	sshll.u32 s6, $0x1;
	s3 =	sadd.s32 s19, s18  }
0xa2: {  	s7 =	simm.s32 $0x0;
	s20 =	sshll.u32 s5, $0x1;
	s5 =	sadd.s32 s21, s3  }
0xa3: {  	[timem:s7], [sflag:s22] =	dma.local [hbm:s5], s20  }
0xa4: {  	_ =	swait.ge [sflag:s22], s20  }
0xa5: {  	s4 =	ssub.s32 $0x0, s20;
	[sflag:s22] =	ssyncset.done $0x0  }
0xa6: {  	[sflag:s22] =	ssyncadd.s32 s4;
	_ =	sdelay $0x1  }
0xa7: {  	s23 =	simm.s32 $0x1B8B  }
0xa8: {  	_ =	swait.ge [sflag:s23], $0x1  }
0xa9: {  	[sflag:s23] =	ssyncset.done $0x0  }
0xaa: {  	s25 =	simm.s32 $0x1B8E;
	s24 =	sld [smem:$0x3FFE];
	[sflag:s23] =	ssyncadd.s32 $0xFFFFFFFF  }
0xab: {  	s26 =	simm.s32 $execute0_lowered;
	[smem:$0x3FD2] =	sst s25  }
0xac: {  	s5 =	sshll.u32 s26, $0x1;
	_ =	strace $0x80000046;
	[dreg:$0x1] =	wrdreg $0xFFFFFFFF  }
0xad: {  	s28 =	simm.s32 $_size_execute0_lowered;
	s3 =	sadd.s32 s3, s5;
	[dreg:$0x0] =	wrdreg $0x0  }
0xae: {  	s5 =	sshll.u32 s28, $0x1;
	[dreg:$0x2] =	wrdreg s3  }
0xaf: {  	[dreg:$0x3] =	wrdreg s5  }
0xb0: {  	[dreg:$0x4] =	wrdreg $0xC0  }
0xb1: {  	_ =	task [dreg:s7], $0x5FFFF  }
0xb2: {  	[dreg:$0x1] =	wrdreg $0xFFFFFFFF  }
0xb3: {  	[dreg:$0x0] =	wrdreg $0x60  }
0xb4: {  	[dreg:$0x2] =	wrdreg s24  }
0xb5: {  	[dreg:$0x3] =	wrdreg s16  }
0xb6: {  	[dreg:$0x4] =	wrdreg $0x9  }
0xb7: {  	_ =	task.clear_ibuf [dreg:s7], $0x5FFFF;
	_ =	strace $0x90000046  }
0xb8: {  	s29 =	simm.s32 $0x9;
	_ =	strace $0x80000048  }
0xb9: {  	_ =	swait.ge [sflag:s29], $0x1  }
0xba: {  	[sflag:s29] =	ssyncadd.s32 $0xFFFFFFFF  }
0xbb: {  	_ =	strace $0x90000048  }
0xbc: {  	_ =	sfence  }
0xbd: {  	s30 =	sld [smem:$0x0];
	_ =	sdelay $0x2  }
0xbe: {  	s31 =	sshll.u32 s1, $0xD;
	s1 =	sshrl.u32 s1, $0x2  }
0xbf: {  	s3 =	sand.u32 $0x4000, s31;
	s1 =	sadd.s32 s1, s30  }
0xc0: {  	s0 =	sor.u32 s3, s0;
	s1 =	sshll.u32 s1, $0x11  }
0xc1: {  	s0 =	sor.u32 s1, s0  }
0xc2: {  	s0 =	sadd.s32 $0x8F2B, s0  }
0xc3: {  	[sflag:s0] =	ssyncadd.remote.s32 $0x1  }
0xc4: {  	_ =	sfence.sel $0xFFFF  }
0xc5: {  	[dreg:$0x0] =	wrdreg $0xFFFFFFFF;
	(pc) =	sbr.abs _section_cstart, $3  }
0xc6: {  	[dreg:$0x1] =	wrdreg $0xFFFFFFFF  }
0xc7: {  	_ =	task.clear_ibuf [dreg:s7], $0x2FFFF;
	_ =	strace $0x9FFFFFFF  }
0xc8: {  	(tm) =	ssettm $0x7FFFFFFF  }
0xc9: {  	_ =	shalt  }
tec
execute0_lowered:
.L_overlay_start_1:
0x0: {  	(tag) =	ssettag $0x1  }
0x1: {  	s7 =	rddreg [dreg:$0x0]  }
0x2: {  	s2 =	rddreg [dreg:$0x1]  }
0x3: {  	s0 =	rddreg [dreg:$0x2]  }
0x4: {  	s1 =	srdreg.scid;
	_ =	strace $0x80000047;
	s4 =	simm.s32 $0x1  }
0x5: {  	s9 =	simm.s32 $0x3;
	s12 =	simm.s32 $0x0;
	s5 =	sshll.u32 s1, $0x4  }
.Ltmp0:
0x6: {  	s1 =	stileid.u32;
	s5 =	sand.u32 $0x10, s5;
	(pc) =	sbr.rel .LBB2_1-.Ltmp0, $4  }
0x7: {  	s10 =	simm.s32 $0x0;
	s3 =	sadd.s32 $0x200, s7;
	s6 =	sor.u32 s1, s5  }
0x8: {  	[sflag:s4] =	ssyncpa.u1 $0x0;
	s5 =	simm.s32 $0x2;
	s6 =	sshll.u32 s6, $0x8  }
0x9: {  	s7 =	sadd.s32 $0x40200, s7;
	[sflag:s5] =	ssyncpa.u1 $0x0;
	s8 =	sadd.s32 $0x100, s6  }
0xa: {  	vm0 =	vmmov $0xff;
	vm1 =	vcmask $0x3F20;
	[sflag:s9] =	ssyncpa.u1 $0x0;
	s9 =	simm.s32 $0x100;
	s11 =	smov.u32 s6  }
.LBB2_9:
0xb: {  	p0 =	seq.s32 s10, $0x2  }
.Ltmp1:
0xc: {  	_ = 	snop;
	(pc) =	sbr.rel @p0 .LBB2_11-.Ltmp1, $1  }
0xd: {  	_ =	sdelay $0x3  }
.LBB2_10:
0xe: {  	s12 =	sadd.s32 $0x100, s11  }
0xf: {  	s13 =	smov.u32 s6;
	p0 =	slt.s32 s12, s8  }
0x10: {  	s13 =	smov.u32 @p0 s12  }
0x11: {  	s10 =	sadd.s32 $0x1, s10;
	s12 =	smov.u32 s11;
	s11 =	smov.u32 s13  }
.LBB2_1:
0x12: {  	p0 =	sne.s32 s10, $0x0  }
.Ltmp2:
0x13: {  	_ = 	snop;
	(pc) =	sbr.rel @!p0 .LBB2_2-.Ltmp2, $1  }
0x14: {  	_ =	sdelay $0x3  }
0x15: {  	s13 =	sand.u32 $0x1, s10  }
0x16: {  	p0 =	seq.s32 s13, $0x0  }
.Ltmp3:
0x17: {  	_ = 	snop;
	(pc) =	sbr.rel @p0 .LBB2_9-.Ltmp3, $1  }
0x18: {  	_ =	sdelay $0x3  }
0x19: {  	_ =	swait.ge [sflag:s5], $0x100  }
0x1a: {  	[sflag:s5] =	ssyncset.done $0x0  }
0x1b: {  	s13 =	simm.s32 $0x0;
	[sflag:s5] =	ssyncadd.s32 $0xFFFFFF00  }
0x1c: {  	v0 =	vld.msk [tilespmem:s13+$0x100 ss:$0x1], $0xffff;
	_ =	sdelay $0x4  }
0x1d: {  	v1 =	vshll.u32 v0, $0x3  }
0x1e: {  	vm2 =	veq.s32 v0, $0x80000000;
	v0 =	vshll.u32 v0, $0x11;
	v1 =	vand.u32 $0x1FF80, v1  }
0x1f: {  	v0 =	vand.u32 $0x1E0000, v0;
	v1 =	vsel vm2, $0xFFFFFF80, v1  }
0x20: {  	v0 =	vsel vm2, $0xFFFE0000, v0;
	v2 =	vand.u32 $0xFFFFFC00, v1  }
0x21: {  	v1 =	vand.u32 $0x380, v1;
	v0 =	vadd.s32 v0, v2  }
0x22: {  	v0 =	vor.u32 v1, v0  }
0x23: {  	v0 =	vshrl.u32 v0, $0x3;
	_ =	sdelay $0x3  }
0x24: {  	s13 =	simm.s32 $0x8200  }
0x25: {  	[tilespmem:s13], [sflag:$0x1] =	stream.indirect_vreg.gather [hbm:s3], $0x80, v0, vm0, $0x38;
	[tilespmem:$0x10200] =	vst v63  }
0x26: {  	s14 =	simm.s32 $0x8600;
	s31 =	simm.s32 $0x10  }
0x27: {  	[tilespmem:s14], [sflag:$0x1] =	stream.indirect_vreg.gather [hbm:s3], $0x80, v0, vm1, $0x38;
	[tilespmem:$0x10200] =	vst v63  }
0x28: {  	s14 =	simm.s32 $0x80;
	v0 =	vld.msk [tilespmem:s31+$0x100 ss:$0x1], $0xffff  }
.LBB2_5:
0x29: {  	p0 =	sne.s32 s14, $0x3C0;
	_ =	sdelay $0x4  }
0x2a: {  	v1 =	vshll.u32 v0, $0x3  }
0x2b: {  	vm2 =	veq.s32 v0, $0x80000000;
	v0 =	vshll.u32 v0, $0x11;
	v1 =	vand.u32 $0x1FF80, v1  }
0x2c: {  	v0 =	vand.u32 $0x1E0000, v0;
	v1 =	vsel vm2, $0xFFFFFF80, v1  }
0x2d: {  	v0 =	vsel vm2, $0xFFFE0000, v0;
	v2 =	vand.u32 $0xFFFFFC00, v1  }
0x2e: {  	v1 =	vand.u32 $0x380, v1;
	v0 =	vadd.s32 v0, v2  }
0x2f: {  	v0 =	vor.u32 v1, v0  }
0x30: {  	v0 =	vshrl.u32 v0, $0x3;
	_ =	sdelay $0x3  }
.Ltmp4:
0x31: {  	s13 =	sadd.s32 $0x800, s13;
	(pc) =	sbr.rel @p0 .LBB2_5-.Ltmp4, $4  }
0x32: {  	[tilespmem:s13], [sflag:$0x1] =	stream.indirect_vreg.gather [hbm:s3], $0x80, v0, vm0, $0x38;
	[tilespmem:$0x10200] =	vst v63  }
0x33: {  	s15 =	sshra.s32 s14, $0x2;
	s16 =	sadd.s32 $0x400, s13  }
0x34: {  	[tilespmem:s16], [sflag:$0x1] =	stream.indirect_vreg.gather [hbm:s3], $0x80, v0, vm1, $0x38;
	[tilespmem:$0x10200] =	vst v63  }
0x35: {  	s14 =	sadd.s32 $0x40, s14;
	v0 =	vld.msk [tilespmem:s15+$0x100 ss:$0x1], $0xffff  }
0x36: {  	_ =	sdelay $0x3  }
0x37: {  	v1 =	vshll.u32 v0, $0x3  }
0x38: {  	vm2 =	veq.s32 v0, $0x80000000;
	v63 =	vshll.u32 v0, $0x11;
	v1 =	vand.u32 $0x1FF80, v1  }
0x39: {  	v0 =	vand.u32 $0x1E0000, v63;
	v1 =	vsel vm2, $0xFFFFFF80, v1  }
0x3a: {  	v0 =	vsel vm2, $0xFFFE0000, v0;
	v2 =	vand.u32 $0xFFFFFC00, v1  }
0x3b: {  	v1 =	vand.u32 $0x380, v1;
	v0 =	vadd.s32 v0, v2  }
0x3c: {  	v0 =	vor.u32 v1, v0  }
0x3d: {  	v0 =	vshrl.u32 v0, $0x3;
	_ =	sdelay $0x3  }
0x3e: {  	s13 =	sadd.s32 $0x800, s13  }
0x3f: {  	[tilespmem:s13], [sflag:$0x1] =	stream.indirect_vreg.gather [hbm:s3], $0x80, v0, vm0, $0x38;
	[tilespmem:$0x10200] =	vst v63  }
0x40: {  	s13 =	sadd.s32 $0x400, s13  }
0x41: {  	[tilespmem:s13], [sflag:$0x1] =	stream.indirect_vreg.gather [hbm:s3], $0x80, v0, vm1, $0x38;
	[tilespmem:$0x10200] =	vst v63  }
0x42: {  	s12 =	sshll.u32 s12, $0x4;
	s14 =	simm.s32 $0x80;
	_ =	swait.ge [sflag:s4], $0x8000  }
0x43: {  	s15 =	simm.s32 $0x8600;
	s12 =	sadd.s32 s12, s7;
	[sflag:s4] =	ssyncset.done $0x0  }
0x44: {  	s16 =	sadd.s32 $0x0, s12;
	s13 =	simm.s32 $0x8200;
	[sflag:s4] =	ssyncadd.s32 $0xFFFF8000  }
.LBB2_7:
0x45: {  	[hbm:s16] =	stream.linear.scatter [tilespmem:s13], [sflag:$0x3], $0x400, $0x38;
	[tilespmem:$0x10200] =	vst v63  }
0x46: {  	s16 =	smov.u32 s14;
	s13 =	smov.u32 s15;
	p0 =	sne.s32 s14, $0xF80  }
.Ltmp5:
0x47: {  	s14 =	sadd.s32 $0x80, s14;
	(pc) =	sbr.rel @p0 .LBB2_7-.Ltmp5, $2  }
0x48: {  	_ =	sdelay $0x2  }
0x49: {  	s15 =	sadd.s32 $0x400, s15;
	s16 =	sadd.s32 s16, s12  }
.Ltmp6:
0x4a: {  	(pc) =	sbr.rel .LBB2_9-.Ltmp6, $2  }
0x4b: {  	_ =	sdelay $0x2  }
0x4c: {  	[hbm:s16] =	stream.linear.scatter [tilespmem:s13], [sflag:$0x3], $0x400, $0x38;
	[tilespmem:$0x10200] =	vst v63  }
.LBB2_2:
.Ltmp7:
0x4d: {  	(pc) =	sbr.rel .LBB2_10-.Ltmp7, $4  }
0x4e: {  	_ = 	snop  }
0x4f: {  	s12 =	sshrl.u32 s11, $0x3  }
0x50: {  	s13 =	sand.u32 $0x7, s11;
	s12 =	sadd.s32 s2, s12  }
0x51: {  	[tilespmem:s9], [sflag:$0x2] =	stream.linear.gather [hbm4b:s12+s13], $0x100, $0x38;
	[tilespmem:$0x10200] =	vst v63  }
.LBB2_11:
0x52: {  	s2 =	simm.s32 $0x3  }
0x53: {  	_ =	swait.ge [sflag:s2], $0x8000  }
0x54: {  	[sflag:s2] =	ssyncset.done $0x0  }
0x55: {  	[sflag:s2] =	ssyncadd.s32 $0xFFFF8000  }
0x56: {  	_ =	sfence.sel $0x180000  }
0x57: {  	s3 =	simm.s32 $0x2;
	[bflag:$0x0] =	sbarrier.arrive $0xFFFF  }
0x58: {  	[sflag:s3] =	ssyncpa.u1 $0x1  }
0x59: {  	s31 =	simm.s32 $0x1;
	[sflag:s2] =	ssyncpa.u1 $0x1  }
0x5a: {  	[sflag:s31] =	ssyncpa.u1 $0x1  }
0x5b: {  	p0 =	sne.s32 s1, $0x0;
	_ =	strace $0x90000047  }
0x5c: {  	s0 =	sadd.s32 @!p0 $0x100000, s0;
	[bflag:$0x2] =	sbarrier.arrive $0xFFFF  }
0x5d: {  	[sflag:s0] =	ssyncadd.tile.s32 @!p0 $0x1;
	_ =	shalt  }
.Lfunc_end2:
_tile_overlayer_lowered:
.L_overlay_start_2:
0x5e: {  	(tag) =	ssettag $0x2  }
0x5f: {  	s0 =	rddreg [dreg:$0x0];
	s2 =	stileid.u32  }
0x60: {  	s1 =	rddreg [dreg:$0x1];
	p0 =	sne.s32 s2, $0x0  }
0x61: {  	s3 =	rddreg [dreg:$0x2];
	[bflag:$0x3] =	sbarrier.arrive $0xFFFF;
	s2 =	simm.s32 @!p0 $0x1C01  }
0x62: {  	[timem:s3], [sflag:s2] =	dma.local @!p0 [hbm:s0], s1  }
0x63: {  	s0 =	simm.s32 @!p0 $0x1  }
0x64: {  	_ =	swait.ge @!p0 [sflag:s0], s1  }
0x65: {  	s1 =	ssub.s32 @!p0 $0x0, s1;
	[sflag:s0] =	ssyncset.done @!p0 $0x0  }
0x66: {  	[sflag:s0] =	ssyncadd.s32 @!p0 s1  }
0x67: {  	[bflag:$0x3] =	sbarrier.arrive $0xFFFF  }
0x68: {  	_ =	shalt  }

// kernel: sparse-core-data-format-call.1.cloned.1.call-start
scs
called_computation.1_lowered:
.L_overlay_start_0:
0x0: {  	s2 =	sld [smem:$0x3FD9]  }
0x1: {  	s3 =	sld [smem:$0x3FFE];
	_ =	sdelay $0x1  }
0x2: {  	s1 =	srdreg.scid  }
0x3: {  	s0 =	sand.u32 $0x1, s1  }
0x4: {  	s18 =	sshll.u32 s0, $0xA;
	s2 =	sadd.s32 s3, s2  }
0x5: {  	s2 =	sadd.s32 s2, s18  }
0x6: {  	[smem:$0x3F99] =	sst s2  }
0x7: {  	_ = 	snop  }
0x8: {  	(tm) =	ssettm $0x1  }
0x9: {  	s19 =	sld [smem:$0x3FFB];
	_ =	sdelay $0x3  }
0xa: {  	_ =	strace s19  }
0xb: {  	s2 =	sld [smem:$0x3FFC];
	_ =	sdelay $0x3  }
0xc: {  	_ =	strace s2  }
0xd: {  	s2 =	sld [smem:$0x3FFD];
	_ =	sdelay $0x3  }
0xe: {  	_ =	strace s2  }
0xf: {  	_ =	strace $0x8FFFFFFF  }
0x10: {  	s20 =	sld [smem:$0x3FDB];
	_ =	sdelay $0x1  }
0x11: {  	s21 =	simm.s32 $_scs_section_size  }
0x12: {  	s4 =	simm.s32 $_size__tile_overlayer_lowered;
	s5 =	simm.s32 $_tile_overlayer_lowered  }
0x13: {  	s6 =	simm.s32 $0x1BFF;
	s22 =	sshll.u32 s5, $0x1;
	s3 =	sadd.s32 s21, s20  }
0x14: {  	s23 =	simm.s32 $0x0;
	s4 =	sshll.u32 s4, $0x1;
	s5 =	sadd.s32 s22, s3  }
0x15: {  	[timem:s23], [sflag:s6] =	dma.local [hbm:s5], s4  }
0x16: {  	_ =	swait.ge [sflag:s6], s4  }
0x17: {  	s4 =	ssub.s32 $0x0, s4;
	[sflag:s6] =	ssyncset.done $0x0  }
0x18: {  	[sflag:s6] =	ssyncadd.s32 s4;
	_ =	sdelay $0x1  }
0x19: {  	s24 =	simm.s32 $0x1B8B  }
0x1a: {  	_ =	swait.ge [sflag:s24], $0x1  }
0x1b: {  	[sflag:s24] =	ssyncset.done $0x0  }
0x1c: {  	[sflag:s24] =	ssyncadd.s32 $0xFFFFFFFF  }
0x1d: {  	s4 =	sld [smem:$0x0]  }
0x1e: {  	s5 =	sand.u32 $0xFFFFFFFE, s1  }
0x1f: {  	p0 =	sne.s32 s1, s5  }
0x20: {  	s5 =	sshll.u32 @p0 s5, $0xE  }
0x21: {  	s5 =	sadd.s32 @p0 $0x11B8D, s5;
	s6 =	sshll.u32 @p0 s4, $0x11  }
0x22: {  	s5 =	sor.u32 @p0 s6, s5  }
0x23: {  	[sflag:s5] =	ssyncadd.remote.s32 @p0 $0x1;
	_ =	sdelay $0x1  }
0x24: {  	s5 =	simm.s32 @p0 $0x1B8D  }
0x25: {  	_ =	swait.eq @p0 [sflag:s5], $0x1  }
0x26: {  	[sflag:s5] =	ssyncadd.s32 @p0 $0xFFFFFFFF  }
0x27: {  	s6 =	sshll.u32 @!p0 s1, $0xE  }
0x28: {  	s6 =	sor.u32 @!p0 $0x4000, s6;
	s5 =	simm.s32 @!p0 $0x1B8D  }
0x29: {  	s4 =	sshll.u32 @!p0 s4, $0x11;
	s6 =	sadd.s32 @!p0 $0x11B8D, s6;
	_ =	swait.eq @!p0 [sflag:s5], $0x1  }
0x2a: {  	s4 =	sor.u32 @!p0 s4, s6;
	[sflag:s5] =	ssyncadd.s32 @!p0 $0xFFFFFFFF  }
0x2b: {  	s26 =	simm.s32 $0x1B8E;
	s25 =	sld [smem:$0x3FFE];
	[sflag:s4] =	ssyncadd.remote.s32 @!p0 $0x1  }
0x2c: {  	s27 =	simm.s32 $execute0_lowered;
	[smem:$0x3FD2] =	sst s26  }
0x2d: {  	s5 =	sshll.u32 s27, $0x1;
	_ =	strace $0x8000004C;
	[dreg:$0x1] =	wrdreg $0xFFFFFFFF  }
0x2e: {  	s28 =	simm.s32 $_size_execute0_lowered;
	s3 =	sadd.s32 s3, s5;
	[dreg:$0x0] =	wrdreg $0x0  }
0x2f: {  	s5 =	sshll.u32 s28, $0x1;
	[dreg:$0x2] =	wrdreg s3  }
0x30: {  	[dreg:$0x3] =	wrdreg s5  }
0x31: {  	[dreg:$0x4] =	wrdreg $0xC0  }
0x32: {  	_ =	task [dreg:s23], $0x5FFFF  }
0x33: {  	[dreg:$0x1] =	wrdreg $0xFFFFFFFF  }
0x34: {  	[dreg:$0x0] =	wrdreg $0x60  }
0x35: {  	[dreg:$0x2] =	wrdreg s25  }
0x36: {  	[dreg:$0x3] =	wrdreg $0x9  }
0x37: {  	_ =	task.clear_ibuf [dreg:s23], $0x4FFFF;
	_ =	strace $0x9000004C  }
0x38: {  	s29 =	simm.s32 $0x9;
	_ =	strace $0x8000004E  }
0x39: {  	_ =	swait.ge [sflag:s29], $0x1  }
0x3a: {  	[sflag:s29] =	ssyncadd.s32 $0xFFFFFFFF  }
0x3b: {  	_ =	strace $0x9000004E  }
0x3c: {  	_ =	sfence  }
0x3d: {  	s30 =	sld [smem:$0x0];
	_ =	sdelay $0x2  }
0x3e: {  	s31 =	sshll.u32 s1, $0xD;
	s1 =	sshrl.u32 s1, $0x2  }
0x3f: {  	s4 =	sand.u32 $0x4000, s31;
	s1 =	sadd.s32 s1, s30  }
0x40: {  	s0 =	sor.u32 s4, s0;
	s1 =	sshll.u32 s1, $0x11  }
0x41: {  	s0 =	sor.u32 s1, s0  }
0x42: {  	s0 =	sadd.s32 $0x8F2B, s0  }
0x43: {  	[sflag:s0] =	ssyncadd.remote.s32 $0x1  }
0x44: {  	_ =	sfence.sel $0xFFFF  }
0x45: {  	[dreg:$0x0] =	wrdreg $0xFFFFFFFF;
	(pc) =	sbr.abs _section_cstart, $3  }
0x46: {  	[dreg:$0x1] =	wrdreg $0xFFFFFFFF  }
0x47: {  	_ =	task.clear_ibuf [dreg:s23], $0x2FFFF;
	_ =	strace $0x9FFFFFFF  }
0x48: {  	(tm) =	ssettm $0x7FFFFFFF  }
0x49: {  	_ =	shalt  }
tec
execute0_lowered:
.L_overlay_start_1:
0x0: {  	(tag) =	ssettag $0x1  }
0x1: {  	s0 =	srdreg.scid;
	s3 =	rddreg [dreg:$0x0];
	s5 =	simm.s32 $0x1  }
0x2: {  	s7 =	simm.s32 $0x2;
	s15 =	simm.s32 $0x0;
	p0 =	por $0x0, $0x0  }
0x3: {  	s8 =	simm.s32 $0x1000;
	s13 =	simm.s32 $0x0;
	s1 =	sshll.u32 s0, $0x7  }
0x4: {  	s14 =	simm.s32 $0x0;
	s9 =	simm.s32 $0x0;
	s1 =	sand.u32 $0x80, s1  }
0x5: {  	s0 =	rddreg [dreg:$0x1];
	_ =	strace $0x8000004D;
	s6 =	ssub.s32 $0x200, s1  }
.Ltmp0:
0x6: {  	s2 =	sadd.s32 $0x61200, s3;
	s31 =	sshrl.u32 s6, $0x7;
	(pc) =	sbr.rel .LBB1_1-.Ltmp0, $4  }
0x7: {  	s4 =	sadd.s32 $0x169200, s3;
	s6 =	sshrl.u32 s6, $0x8;
	s3 =	sand.u32 $0x1, s31  }
0x8: {  	s11 =	stileid.u32;
	[sflag:s5] =	ssyncpa.u1 $0x0;
	s6 =	sadd.s32 s6, s3  }
0x9: {  	s12 =	simm.s32 $0x0;
	[sflag:s7] =	ssyncpa.u1 $0x0;
	s6 =	sshll.u32 s6, $0x3  }
0xa: {  	s10 =	smov.u32 s1;
	s3 =	stileid.u32;
	s7 =	sor.u32 $0x1, s6  }
.LBB1_4:
0xb: {  	v5 =	vld [tilespmem:s18+$0xFFFFFFD0];
	[tilespmem:s19+$0x2040 ss:$0x81] =	vst.msk $0xffff, v1  }
0xc: {  	v58 =	vld [tilespmem:s18+$0xFFFFFFE0];
	[tilespmem:s19+$0x2850 ss:$0x81] =	vst.msk $0xffff, v2  }
0xd: {  	s20 =	sshra.s32 s20, $0x2;
	v59 =	vld [tilespmem:s18+$0xFFFFFFF0];
	[tilespmem:s19+$0x3060 ss:$0x81] =	vst.msk $0xffff, v3  }
0xe: {  	v60 =	vld [tilespmem:s18+$0x0];
	[tilespmem:s19+$0x0 ss:$0x81] =	vst.msk $0xffff, v0;
	s17 =	sadd.s32 s20, s17  }
0xf: {  	v61 =	vld [tilespmem:s18+$0x10];
	s25 =	sshll.u32 s15, $0x9;
	[tilespmem:s17+$0x3870 ss:$0x81] =	vst.msk $0xffff, v4  }
0x10: {  	s26 =	sshll.u32 s13, $0x3;
	v62 =	vld [tilespmem:s18+$0x20];
	s27 =	sshll.u32 s15, $0x7;
	s30 =	sand.u32 $0x78, s13;
	[tilespmem:s17+$0x810 ss:$0x81] =	vst.msk $0xffff, v5  }
0x11: {  	v63 =	vld [tilespmem:s18+$0xFFFFFFC0];
	s14 =	sshll.u32 s14, $0x10;
	s19 =	sand.u32 $0x7F000, s25;
	s20 =	sand.u32 $0x7FC00, s26;
	[tilespmem:s17+$0x1020 ss:$0x81] =	vst.msk $0xffff, v58  }
0x12: {  	s29 =	sand.u32 $0x200, s27;
	s15 =	sand.u32 $0x180, s27;
	s28 =	sadd.s32 s20, s19;
	[tilespmem:s17+$0x1830 ss:$0x81] =	vst.msk $0xffff, v59  }
0x13: {  	s31 =	sand.u32 $0x7, s13;
	s15 =	sor.u32 s30, s15;
	s18 =	sor.u32 s29, s28;
	[tilespmem:s17+$0x2040 ss:$0x81] =	vst.msk $0xffff, v60  }
0x14: {  	s14 =	sadd.s32 s4, s14;
	s15 =	sshrl.u32 s15, $0x3;
	s18 =	sshrl.u32 s18, $0x3;
	[tilespmem:s17+$0x2850 ss:$0x81] =	vst.msk $0xffff, v61  }
0x15: {  	s13 =	sshll.u32 s31, $0x12;
	s14 =	sadd.s32 s15, s14;
	[tilespmem:s17+$0x3060 ss:$0x81] =	vst.msk $0xffff, v62;
	s18 =	sand.u32 $0xFFC0, s18  }
0x16: {  	s13 =	sor.u32 $0x400, s13;
	[tilespmem:s17+$0x0 ss:$0x81] =	vst.msk $0xffff, v63;
	s14 =	sadd.s32 s18, s14  }
0x17: {  	[hbm4b:s14+s13] =	stream.strided.scatter [tilespmem:s16], [sflag:$0x2], $0x4000, s8, s13, $0x20;
	[tilespmem:$0x10100] =	vst v63  }
.LBB1_5:
0x18: {  	s16 =	sadd.s32 $0x80, s9  }
0x19: {  	s13 =	sadd.s32 $0x100, s10;
	s17 =	smov.u32 s10;
	p2 =	sgt.s32 s16, $0x3FF  }
0x1a: {  	s17 =	smov.u32 @p2 s13  }
0x1b: {  	s19 =	smov.u32 s11;
	s13 =	sadd.s32 $0x10, s11;
	p3 =	sgt.s32 s17, $0x1FF  }
0x1c: {  	s19 =	smov.u32 @p3 s13  }
0x1d: {  	s16 =	simm.s32 @p2 $0x0;
	p2 =	sgt.s32 s19, $0xF  }
0x1e: {  	p1 =	slt.u32 s12, $0x2;
	s19 =	smov.u32 @p2 s3;
	p2 =	sne.s32 s12, s7  }
.Ltmp1:
0x1f: {  	s18 =	simm.s32 @!p1 $0x2;
	(pc) =	sbr.rel @!p2 .LBB1_6-.Ltmp1, $4  }
0x20: {  	s15 =	smov.u32 s9;
	s14 =	smov.u32 s11;
	_ =	swait.ge @!p1 [sflag:s18], $0x4000  }
0x21: {  	p0 =	por !p0, !p0;
	[sflag:s18] =	ssyncset.done @!p1 $0x0;
	s9 =	smov.u32 s16  }
0x22: {  	s17 =	smov.u32 @p3 s1;
	s13 =	smov.u32 s10;
	[sflag:s18] =	ssyncadd.s32 @!p1 $0xFFFFC000  }
0x23: {  	s10 =	smov.u32 s17;
	s12 =	sadd.s32 $0x1, s12;
	s11 =	smov.u32 s19  }
.LBB1_1:
0x24: {  	p1 =	sge.u32 s12, s6  }
0x25: {  	s31 =	sadd.s32 $0xFFFFFFFF, s12;
	s16 =	sshll.u32 @!p1 s10, $0x7  }
0x26: {  	s17 =	sxor.u32 @!p1 $0xFFFFFFFF, s12;
	s18 =	sand.u32 @!p1 $0x78, s9;
	s19 =	sand.u32 @!p1 $0x380, s16  }
0x27: {  	s17 =	sshll.u32 @!p1 s17, $0xE;
	s18 =	sor.u32 @!p1 s18, s19;
	s19 =	sshll.u32 @!p1 s11, $0x10  }
0x28: {  	s16 =	sand.u32 @!p1 $0xFC00, s16;
	s18 =	sshrl.u32 @!p1 s18, $0x3;
	s19 =	sadd.s32 @!p1 s2, s19  }
0x29: {  	s16 =	sadd.s32 @!p1 s9, s16;
	s18 =	sadd.s32 @!p1 s18, s19;
	s19 =	sand.u32 @!p1 $0x7, s9  }
0x2a: {  	s17 =	sand.u32 @!p1 $0x4000, s17;
	s16 =	sand.u32 @!p1 $0xFF80, s16;
	s19 =	sshll.u32 @!p1 s19, $0x12  }
0x2b: {  	s16 =	sadd.s32 @!p1 s16, s18;
	s18 =	sor.u32 @!p1 $0x400, s19;
	s19 =	simm.s32 @!p1 $0x2000  }
0x2c: {  	[tilespmem:s17], [sflag:$0x1] =	stream.strided.gather @!p1 [hbm4b:s16+s18], $0x4000, s19, s18, $0x38;
	[tilespmem:$0x10100] =	vst v63  }
0x2d: {  	p1 =	sge.u32 s31, s6  }
.Ltmp2:
0x2e: {  	_ = 	snop;
	(pc) =	sbr.rel @p1 .LBB1_5-.Ltmp2, $1  }
0x2f: {  	_ =	sdelay $0x3  }
0x30: {  	s16 =	simm.s32 $0x1  }
0x31: {  	_ =	swait.ge [sflag:s5], $0x4000;
	s16 =	simm.s32 @!p0 $0x0  }
0x32: {  	[sflag:s5] =	ssyncset.done $0x0;
	s17 =	sshll.u32 s16, $0xE  }
0x33: {  	[sflag:s5] =	ssyncadd.s32 $0xFFFFC000;
	s18 =	sor.u32 $0x40, s17  }
0x34: {  	s16 =	smul.u32 $0x10200, s16;
	v0 =	vld [tilespmem:s18+$0x30]  }
0x35: {  	v3 =	vld [tilespmem:s18+$0xFFFFFFD0]  }
0x36: {  	s16 =	sshrl.u32 s16, $0x2;
	v4 =	vld [tilespmem:s18+$0xFFFFFFE0]  }
0x37: {  	v5 =	vld [tilespmem:s18+$0xFFFFFFF0];
	s17 =	sor.u32 $0x8000, s16  }
0x38: {  	s31 =	sand.u32 $0x1, s12;
	v1 =	vld [tilespmem:s18+$0x0];
	s19 =	sadd.s32 $0x0, s17  }
0x39: {  	v2 =	vld [tilespmem:s18+$0x10];
	s16 =	smul.u32 $0x10200, s31;
	[tilespmem:s19+$0x3870 ss:$0x81] =	vst.msk $0xffff, v0  }
0x3a: {  	[tilespmem:s19+$0x810 ss:$0x81] =	vst.msk $0xffff, v3;
	v3 =	vld [tilespmem:s18+$0x20]  }
0x3b: {  	s16 =	sshrl.u32 s16, $0x2;
	v0 =	vld [tilespmem:s18+$0xFFFFFFC0];
	[tilespmem:s19+$0x1020 ss:$0x81] =	vst.msk $0xffff, v4;
	s18 =	sadd.s32 $0x80, s18  }
0x3c: {  	s20 =	simm.s32 $0x4;
	s21 =	simm.s32 $0x8;
	s16 =	sor.u32 $0x8000, s16;
	[tilespmem:s19+$0x1830 ss:$0x81] =	vst.msk $0xffff, v5;
	v4 =	vld [tilespmem:s18+$0x30]  }
.LBB1_3:
0x3d: {  	p1 =	sne.s32 s21, $0x1FC;
	v5 =	vld [tilespmem:s18+$0xFFFFFFD0];
	[tilespmem:s19+$0x2040 ss:$0x81] =	vst.msk $0xffff, v1  }
0x3e: {  	v6 =	vld [tilespmem:s18+$0xFFFFFFE0];
	[tilespmem:s19+$0x2850 ss:$0x81] =	vst.msk $0xffff, v2  }
0x3f: {  	s22 =	sshra.s32 s20, $0x2;
	s20 =	smov.u32 s21;
	v7 =	vld [tilespmem:s18+$0xFFFFFFF0];
	[tilespmem:s19+$0x3060 ss:$0x81] =	vst.msk $0xffff, v3  }
.Ltmp3:
0x40: {  	v1 =	vld [tilespmem:s18+$0x0];
	[tilespmem:s19+$0x0 ss:$0x81] =	vst.msk $0xffff, v0;
	s19 =	sadd.s32 s22, s17;
	(pc) =	sbr.rel @p1 .LBB1_3-.Ltmp3, $4  }
0x41: {  	v2 =	vld [tilespmem:s18+$0x10];
	[tilespmem:s19+$0x3870 ss:$0x81] =	vst.msk $0xffff, v4  }
0x42: {  	[tilespmem:s19+$0x810 ss:$0x81] =	vst.msk $0xffff, v5;
	v3 =	vld [tilespmem:s18+$0x20]  }
0x43: {  	v0 =	vld [tilespmem:s18+$0xFFFFFFC0];
	[tilespmem:s19+$0x1020 ss:$0x81] =	vst.msk $0xffff, v6;
	s18 =	sadd.s32 $0x80, s18  }
0x44: {  	s21 =	sadd.s32 $0x4, s21;
	v4 =	vld [tilespmem:s18+$0x30];
	[tilespmem:s19+$0x1830 ss:$0x81] =	vst.msk $0xffff, v7  }
.Ltmp4:
0x45: {  	_ = 	snop;
	(pc) =	sbr.rel .LBB1_4-.Ltmp4, $1  }
0x46: {  	_ =	sdelay $0x3  }
.LBB1_6:
0x47: {  	_ =	sfence.sel $0x180000  }
0x48: {  	s1 =	simm.s32 $0x1;
	[bflag:$0x0] =	sbarrier.arrive $0xFFFF  }
0x49: {  	s31 =	simm.s32 $0x2;
	[sflag:s1] =	ssyncpa.u1 $0x1  }
0x4a: {  	[sflag:s31] =	ssyncpa.u1 $0x1  }
0x4b: {  	p0 =	sne.s32 s3, $0x0;
	_ =	strace $0x9000004D  }
0x4c: {  	s0 =	sadd.s32 @!p0 $0x100000, s0;
	[bflag:$0x2] =	sbarrier.arrive $0xFFFF  }
0x4d: {  	[sflag:s0] =	ssyncadd.tile.s32 @!p0 $0x1;
	_ =	shalt  }
.Lfunc_end1:
_tile_overlayer_lowered:
.L_overlay_start_2:
0x4e: {  	(tag) =	ssettag $0x2  }
0x4f: {  	s0 =	rddreg [dreg:$0x0];
	s2 =	stileid.u32  }
0x50: {  	s1 =	rddreg [dreg:$0x1];
	p0 =	sne.s32 s2, $0x0  }
0x51: {  	s3 =	rddreg [dreg:$0x2];
	[bflag:$0x3] =	sbarrier.arrive $0xFFFF;
	s2 =	simm.s32 @!p0 $0x1C01  }
0x52: {  	[timem:s3], [sflag:s2] =	dma.local @!p0 [hbm:s0], s1  }
0x53: {  	s0 =	simm.s32 @!p0 $0x1  }
0x54: {  	_ =	swait.ge @!p0 [sflag:s0], s1  }
0x55: {  	s1 =	ssub.s32 @!p0 $0x0, s1;
	[sflag:s0] =	ssyncset.done @!p0 $0x0  }
0x56: {  	[sflag:s0] =	ssyncadd.s32 @!p0 s1  }
0x57: {  	[bflag:$0x3] =	sbarrier.arrive $0xFFFF  }
0x58: {  	_ =	shalt  }

// kernel: sparse-core-data-format-call.cloned.1.call-start
scs
called_computation_lowered:
.L_overlay_start_0:
0x0: {  	s1 =	sld [smem:$0x3FD9]  }
0x1: {  	s2 =	sld [smem:$0x3FFE];
	_ =	sdelay $0x1  }
0x2: {  	s3 =	srdreg.scid  }
0x3: {  	s0 =	sand.u32 $0x1, s3  }
0x4: {  	s17 =	sshll.u32 s0, $0xA;
	s1 =	sadd.s32 s2, s1  }
0x5: {  	s1 =	sadd.s32 s1, s17  }
0x6: {  	[smem:$0x3F99] =	sst s1  }
0x7: {  	_ = 	snop  }
0x8: {  	(tm) =	ssettm $0x1  }
0x9: {  	s18 =	sld [smem:$0x3FFB];
	_ =	sdelay $0x3  }
0xa: {  	_ =	strace s18  }
0xb: {  	s1 =	sld [smem:$0x3FFC];
	_ =	sdelay $0x3  }
0xc: {  	_ =	strace s1  }
0xd: {  	s1 =	sld [smem:$0x3FFD];
	_ =	sdelay $0x3  }
0xe: {  	_ =	strace s1  }
0xf: {  	_ =	strace $0x8FFFFFFF  }
0x10: {  	s19 =	sld [smem:$0x3FDB];
	_ =	sdelay $0x1  }
0x11: {  	s20 =	simm.s32 $_scs_section_size  }
0x12: {  	s4 =	simm.s32 $_size__tile_overlayer_lowered;
	s5 =	simm.s32 $_tile_overlayer_lowered  }
0x13: {  	s23 =	simm.s32 $0x1BFF;
	s22 =	sshll.u32 s5, $0x1;
	s1 =	sadd.s32 s20, s19  }
0x14: {  	s6 =	simm.s32 $0x0;
	s21 =	sshll.u32 s4, $0x1;
	s4 =	sadd.s32 s22, s1  }
0x15: {  	[timem:s6], [sflag:s23] =	dma.local [hbm:s4], s21  }
0x16: {  	_ =	swait.ge [sflag:s23], s21  }
0x17: {  	s2 =	ssub.s32 $0x0, s21;
	[sflag:s23] =	ssyncset.done $0x0  }
0x18: {  	[sflag:s23] =	ssyncadd.s32 s2;
	_ =	sdelay $0x1  }
0x19: {  	s24 =	simm.s32 $0x1B8B  }
0x1a: {  	_ =	swait.ge [sflag:s24], $0x1  }
0x1b: {  	[sflag:s24] =	ssyncset.done $0x0  }
0x1c: {  	s26 =	simm.s32 $0x1B8E;
	s25 =	sld [smem:$0x3FFE];
	[sflag:s24] =	ssyncadd.s32 $0xFFFFFFFF  }
0x1d: {  	s27 =	simm.s32 $execute0_lowered;
	[smem:$0x3FD2] =	sst s26  }
0x1e: {  	s4 =	sshll.u32 s27, $0x1;
	_ =	strace $0x8000004F;
	[dreg:$0x1] =	wrdreg $0xFFFFFFFF  }
0x1f: {  	s28 =	simm.s32 $_size_execute0_lowered;
	s1 =	sadd.s32 s1, s4;
	[dreg:$0x0] =	wrdreg $0x0  }
0x20: {  	s4 =	sshll.u32 s28, $0x1;
	[dreg:$0x2] =	wrdreg s1  }
0x21: {  	[dreg:$0x3] =	wrdreg s4  }
0x22: {  	[dreg:$0x4] =	wrdreg $0xC0  }
0x23: {  	_ =	task [dreg:s6], $0x5FFFF  }
0x24: {  	[dreg:$0x1] =	wrdreg $0xFFFFFFFF  }
0x25: {  	[dreg:$0x0] =	wrdreg $0x60  }
0x26: {  	[dreg:$0x2] =	wrdreg s25  }
0x27: {  	[dreg:$0x3] =	wrdreg $0x9  }
0x28: {  	_ =	task.clear_ibuf [dreg:s6], $0x4FFFF;
	_ =	strace $0x9000004F  }
0x29: {  	s29 =	simm.s32 $0x9;
	_ =	strace $0x80000051  }
0x2a: {  	_ =	swait.ge [sflag:s29], $0x1  }
0x2b: {  	[sflag:s29] =	ssyncadd.s32 $0xFFFFFFFF  }
0x2c: {  	_ =	strace $0x90000051  }
0x2d: {  	_ =	sfence  }
0x2e: {  	s30 =	sld [smem:$0x0];
	_ =	sdelay $0x2  }
0x2f: {  	s31 =	sshll.u32 s3, $0xD;
	s3 =	sshrl.u32 s3, $0x2  }
0x30: {  	s2 =	sand.u32 $0x4000, s31;
	s1 =	sadd.s32 s3, s30  }
0x31: {  	s0 =	sor.u32 s2, s0;
	s1 =	sshll.u32 s1, $0x11  }
0x32: {  	s0 =	sor.u32 s1, s0  }
0x33: {  	s0 =	sadd.s32 $0x8F2B, s0  }
0x34: {  	[sflag:s0] =	ssyncadd.remote.s32 $0x1  }
0x35: {  	_ =	sfence.sel $0xFFFF  }
0x36: {  	[dreg:$0x0] =	wrdreg $0xFFFFFFFF;
	(pc) =	sbr.abs _section_cstart, $3  }
0x37: {  	[dreg:$0x1] =	wrdreg $0xFFFFFFFF  }
0x38: {  	_ =	task.clear_ibuf [dreg:s6], $0x2FFFF;
	_ =	strace $0x9FFFFFFF  }
0x39: {  	(tm) =	ssettm $0x7FFFFFFF  }
tec
execute0_lowered:
.L_overlay_start_1:
0x0: {  	(tag) =	ssettag $0x1  }
0x1: {  	s0 =	srdreg.scid  }
0x2: {  	s1 =	rddreg [dreg:$0x0];
	s5 =	simm.s32 $0x1;
	s8 =	simm.s32 $0x2  }
0x3: {  	s13 =	simm.s32 $0x0;
	p0 =	por $0x0, $0x0;
	s12 =	simm.s32 $0x0  }
0x4: {  	s14 =	simm.s32 $0x0;
	s9 =	simm.s32 $0x0;
	s2 =	sshll.u32 s0, $0x1  }
0x5: {  	s10 =	stileid.u32;
	s11 =	simm.s32 $0x0;
	s2 =	sand.u32 $0x2, s2  }
.Ltmp0:
0x6: {  	s0 =	rddreg [dreg:$0x1];
	s6 =	ssub.s32 $0x40, s2;
	(pc) =	sbr.rel .LBB1_1-.Ltmp0, $4  }
0x7: {  	_ =	strace $0x80000050;
	s3 =	sadd.s32 $0x60200, s1;
	s7 =	sshrl.u32 s6, $0x1  }
0x8: {  	s4 =	sadd.s32 $0x169200, s1;
	s6 =	sshrl.u32 s6, $0x2;
	s7 =	sand.u32 $0x1, s7  }
0x9: {  	s1 =	stileid.u32;
	[sflag:s5] =	ssyncpa.u1 $0x0;
	s6 =	sadd.s32 s6, s7  }
0xa: {  	[sflag:s8] =	ssyncpa.u1 $0x0;
	s8 =	smov.u32 s2;
	s7 =	sadd.s32 $0x1, s6  }
.LBB1_4:
0xb: {  	v11 =	vld [tilespmem:s18+$0xFFFFFFE0];
	v12 =	vcombine.low v6, v7  }
0xc: {  	v3 =	vperm.xlane.i2c.b16 v3;
	[tilespmem:s20+$0x3870 ss:$0x81] =	vst.msk $0xffff, v9;
	v45 =	vld [tilespmem:s18+$0xFFFFFFF0];
	v4 =	vperm.xlane.i2c.b16 v4  }
0xd: {  	v46 =	vcombine.high v6, v7;
	[tilespmem:s17+$0x2040 ss:$0x81] =	vst.msk $0xffff, v10;
	v47 =	vld [tilespmem:s18+$0x0];
	v5 =	vperm.xlane.i2c.b16 v5  }
0xe: {  	v49 =	vld [tilespmem:s18+$0x10];
	v1 =	vperm.xlane.i2c.b16 v1;
	[tilespmem:s20+$0x810 ss:$0x81] =	vst.msk $0xffff, v12;
	v48 =	vcombine.low v8, v3  }
0xf: {  	v51 =	vld [tilespmem:s18+$0xFFFFFFC0];
	v58 =	vperm.xlane.i2c.b16 v2;
	v50 =	vcombine.low v4, v0;
	[tilespmem:s20+$0x2850 ss:$0x81] =	vst.msk $0xffff, v46  }
0x10: {  	s25 =	sshra.s32 s19, $0x2;
	v3 =	vcombine.high v8, v3;
	v52 =	vcombine.low v1, v5;
	[tilespmem:s20+$0x1020 ss:$0x81] =	vst.msk $0xffff, v48  }
0x11: {  	s15 =	sadd.s32 s25, s15;
	v1 =	vcombine.high v1, v5;
	v55 =	vcombine.high v4, v0;
	[tilespmem:s20+$0x0 ss:$0x81] =	vst.msk $0xffff, v50  }
0x12: {  	[tilespmem:s15+$0x1830 ss:$0x81] =	vst.msk $0xffff, v52;
	v11 =	vperm.xlane.i2c.b16 v11;
	v53 =	vperm.xlane.i2c.b16 v45  }
0x13: {  	[tilespmem:s20+$0x3060 ss:$0x81] =	vst.msk $0xffff, v3;
	v54 =	vperm.xlane.i2c.b16 v47;
	v57 =	vperm.xlane.i2c.b16 v49  }
0x14: {  	[tilespmem:s15+$0x3870 ss:$0x81] =	vst.msk $0xffff, v1;
	v60 =	vperm.xlane.i2c.b16 v51;
	v56 =	vcombine.low v11, v53  }
0x15: {  	[tilespmem:s20+$0x2040 ss:$0x81] =	vst.msk $0xffff, v55;
	v61 =	vcombine.low v54, v57  }
0x16: {  	s26 =	sshll.u32 s12, $0x3;
	s27 =	sshll.u32 s12, $0x1;
	v63 =	vcombine.low v60, v58;
	[tilespmem:s15+$0x810 ss:$0x81] =	vst.msk $0xffff, v56  }
0x17: {  	s14 =	sshll.u32 s14, $0x10;
	s13 =	sshll.u32 s13, $0xA;
	s28 =	sshrl.u32 s12, $0x3;
	v59 =	vcombine.high v11, v53;
	[tilespmem:s15+$0x1020 ss:$0x81] =	vst.msk $0xffff, v61  }
0x18: {  	s17 =	sand.u32 $0x3C00, s26;
	s18 =	sand.u32 $0x80, s27;
	s14 =	sadd.s32 s4, s14;
	v62 =	vcombine.high v54, v57;
	[tilespmem:s15+$0x0 ss:$0x81] =	vst.msk $0xffff, v63  }
0x19: {  	s29 =	sand.u32 $0x7, s28;
	s17 =	sor.u32 s18, s17;
	s13 =	sadd.s32 s13, s14;
	v0 =	vcombine.high v60, v58;
	[tilespmem:s15+$0x2850 ss:$0x81] =	vst.msk $0xffff, v59  }
0x1a: {  	s30 =	sshrl.u32 s17, $0x4;
	s13 =	sadd.s32 s29, s13;
	[tilespmem:s15+$0x3060 ss:$0x81] =	vst.msk $0xffff, v62  }
0x1b: {  	s31 =	sand.u32 $0x7, s12;
	s13 =	sadd.s32 s30, s13;
	[tilespmem:s15+$0x2040 ss:$0x81] =	vst.msk $0xffff, v0  }
0x1c: {  	[hbm4b:s13+s31] =	stream.linear.scatter [tilespmem:s16], [sflag:$0x2], $0x4000, $0x20;
	[tilespmem:$0x10100] =	vst v63  }
.LBB1_5:
0x1d: {  	s15 =	sadd.s32 $0x4, s8  }
0x1e: {  	s12 =	sadd.s32 $0x80, s9;
	s16 =	smov.u32 s9;
	p2 =	sgt.s32 s15, $0x3F  }
0x1f: {  	s16 =	smov.u32 @p2 s12  }
0x20: {  	s18 =	smov.u32 s10;
	s12 =	sadd.s32 $0x10, s10;
	p3 =	sgt.s32 s16, $0x7F  }
0x21: {  	s18 =	smov.u32 @p3 s12  }
0x22: {  	s15 =	smov.u32 @p2 s2;
	p2 =	sgt.s32 s18, $0xF  }
0x23: {  	p1 =	slt.u32 s11, $0x2;
	s18 =	smov.u32 @p2 s1;
	p2 =	sne.s32 s11, s7  }
.Ltmp1:
0x24: {  	s17 =	simm.s32 @!p1 $0x2;
	(pc) =	sbr.rel @!p2 .LBB1_6-.Ltmp1, $4  }
0x25: {  	s13 =	smov.u32 s8;
	s14 =	smov.u32 s10;
	_ =	swait.ge @!p1 [sflag:s17], $0x4000  }
0x26: {  	p0 =	por !p0, !p0;
	[sflag:s17] =	ssyncset.done @!p1 $0x0;
	s8 =	smov.u32 s15  }
0x27: {  	s16 =	simm.s32 @p3 $0x0;
	s12 =	smov.u32 s9;
	[sflag:s17] =	ssyncadd.s32 @!p1 $0xFFFFC000  }
0x28: {  	s9 =	smov.u32 s16;
	s11 =	sadd.s32 $0x1, s11;
	s10 =	smov.u32 s18  }
.LBB1_1:
0x29: {  	p1 =	sge.u32 s11, s6;
	s31 =	sadd.s32 $0xFFFFFFFF, s11  }
0x2a: {  	s15 =	sshll.u32 @!p1 s10, $0x10;
	s16 =	sshll.u32 @!p1 s9, $0x9;
	s17 =	sshll.u32 @!p1 s8, $0x3  }
0x2b: {  	s18 =	sxor.u32 @!p1 $0xFFFFFFFF, s11;
	s15 =	sadd.s32 @!p1 s3, s15;
	s17 =	sand.u32 @!p1 $0x1F0, s17  }
0x2c: {  	s15 =	sadd.s32 @!p1 s16, s15;
	s16 =	sshll.u32 @!p1 s18, $0xE;
	s18 =	simm.s32 @!p1 $0x1000  }
0x2d: {  	s15 =	sadd.s32 @!p1 s17, s15;
	s16 =	sand.u32 @!p1 $0x4000, s16;
	s17 =	simm.s32 @!p1 $0x80  }
0x2e: {  	[tilespmem:s16], [sflag:$0x1] =	stream.strided.gather @!p1 [hbm4b:s15+s17], $0x4000, s18, s17, $0x38;
	[tilespmem:$0x10100] =	vst v63  }
0x2f: {  	p1 =	sge.u32 s31, s6  }
.Ltmp2:
0x30: {  	_ = 	snop;
	(pc) =	sbr.rel @p1 .LBB1_5-.Ltmp2, $1  }
0x31: {  	_ =	sdelay $0x3  }
0x32: {  	s15 =	simm.s32 $0x1  }
0x33: {  	_ =	swait.ge [sflag:s5], $0x4000;
	s15 =	simm.s32 @!p0 $0x0  }
0x34: {  	[sflag:s5] =	ssyncset.done $0x0;
	s16 =	sshll.u32 s15, $0xE  }
0x35: {  	[sflag:s5] =	ssyncadd.s32 $0xFFFFC000;
	s16 =	sor.u32 $0x40, s16  }
0x36: {  	v0 =	vld [tilespmem:s16+$0x20]  }
0x37: {  	v1 =	vld [tilespmem:s16+$0x30]  }
0x38: {  	v2 =	vld [tilespmem:s16+$0xFFFFFFD0]  }
0x39: {  	v3 =	vld [tilespmem:s16+$0xFFFFFFE0]  }
0x3a: {  	v4 =	vld [tilespmem:s16+$0xFFFFFFF0]  }
0x3b: {  	v5 =	vld [tilespmem:s16+$0x0]  }
0x3c: {  	v6 =	vld [tilespmem:s16+$0x10]  }
0x3d: {  	v7 =	vld [tilespmem:s16+$0xFFFFFFC0]  }
0x3e: {  	s15 =	smul.u32 $0x10200, s15;
	v1 =	vperm.xlane.i2c.b16 v1;
	v0 =	vperm.xlane.i2c.b16 v0  }
0x3f: {  	s16 =	sadd.s32 $0x80, s16;
	v10 =	vperm.xlane.i2c.b16 v2;
	v3 =	vperm.xlane.i2c.b16 v3  }
0x40: {  	s15 =	sshrl.u32 s15, $0x2;
	v9 =	vld [tilespmem:s16+$0x30];
	v4 =	vperm.xlane.i2c.b16 v4;
	v5 =	vperm.xlane.i2c.b16 v5  }
0x41: {  	s15 =	sor.u32 $0x8000, s15;
	v2 =	vld [tilespmem:s16+$0x20];
	v6 =	vperm.xlane.i2c.b16 v6;
	v8 =	vcombine.low v0, v1  }
0x42: {  	v12 =	vld [tilespmem:s16+$0xFFFFFFF0];
	s17 =	sadd.s32 $0x0, s15;
	v13 =	vperm.xlane.i2c.b16 v7;
	v11 =	vcombine.low v3, v4  }
0x43: {  	v0 =	vcombine.high v0, v1;
	v1 =	vld [tilespmem:s16+$0xFFFFFFD0];
	v7 =	vcombine.low v5, v6;
	[tilespmem:s17+$0x1830 ss:$0x81] =	vst.msk $0xffff, v8  }
0x44: {  	v8 =	vld [tilespmem:s16+$0xFFFFFFE0];
	[tilespmem:s17+$0x810 ss:$0x81] =	vst.msk $0xffff, v11  }
0x45: {  	v14 =	vld [tilespmem:s16+$0x0];
	v9 =	vperm.xlane.i2c.b16 v9;
	v5 =	vcombine.high v5, v6;
	[tilespmem:s17+$0x1020 ss:$0x81] =	vst.msk $0xffff, v7  }
0x46: {  	s18 =	sand.u32 $0x1, s11;
	[tilespmem:s17+$0x3870 ss:$0x81] =	vst.msk $0xffff, v0;
	v0 =	vcombine.high v3, v4;
	v3 =	vld [tilespmem:s16+$0x10];
	v2 =	vperm.xlane.i2c.b16 v2  }
0x47: {  	s19 =	smul.u32 $0x10200, s18;
	s18 =	sadd.s32 $0x80, s16;
	v11 =	vcombine.low v13, v10;
	v7 =	vperm.xlane.i2c.b16 v12;
	v4 =	vld [tilespmem:s16+$0xFFFFFFC0];
	[tilespmem:s17+$0x3060 ss:$0x81] =	vst.msk $0xffff, v5  }
0x48: {  	v5 =	vld [tilespmem:s18+$0x30];
	[tilespmem:s17+$0x2850 ss:$0x81] =	vst.msk $0xffff, v0;
	v0 =	vperm.xlane.i2c.b16 v1;
	v15 =	vcombine.low v2, v9  }
0x49: {  	s31 =	sshrl.u32 s19, $0x2;
	s20 =	sadd.s32 $0x1, s15;
	[tilespmem:s17+$0x0 ss:$0x81] =	vst.msk $0xffff, v11;
	v1 =	vld [tilespmem:s18+$0x20];
	v9 =	vcombine.high v2, v9;
	v6 =	vperm.xlane.i2c.b16 v8  }
0x4a: {  	s21 =	simm.s32 $0xC;
	s19 =	simm.s32 $0x8;
	v10 =	vcombine.high v13, v10;
	s16 =	sor.u32 $0x8000, s31;
	v2 =	vld [tilespmem:s18+$0xFFFFFFD0];
	v8 =	vperm.xlane.i2c.b16 v14;
	[tilespmem:s20+$0x1830 ss:$0x81] =	vst.msk $0xffff, v15  }
.LBB1_3:
0x4b: {  	p1 =	sne.s32 s21, $0x1FC;
	v11 =	vld [tilespmem:s18+$0xFFFFFFE0];
	v12 =	vcombine.low v6, v7;
	v3 =	vperm.xlane.i2c.b16 v3;
	[tilespmem:s20+$0x3870 ss:$0x81] =	vst.msk $0xffff, v9  }
0x4c: {  	v13 =	vperm.xlane.i2c.b16 v4;
	v4 =	vcombine.high v6, v7;
	v9 =	vld [tilespmem:s18+$0xFFFFFFF0];
	[tilespmem:s17+$0x2040 ss:$0x81] =	vst.msk $0xffff, v10;
	s17 =	smov.u32 s20  }
0x4d: {  	v10 =	vld [tilespmem:s18+$0x0];
	[tilespmem:s17+$0x810 ss:$0x81] =	vst.msk $0xffff, v12;
	v6 =	vcombine.low v8, v3;
	v7 =	vcombine.high v8, v3  }
.Ltmp3:
0x4e: {  	v8 =	vperm.xlane.i2c.b16 v5;
	v12 =	vperm.xlane.i2c.b16 v1;
	v3 =	vld [tilespmem:s18+$0x10];
	[tilespmem:s17+$0x2850 ss:$0x81] =	vst.msk $0xffff, v4;
	(pc) =	sbr.rel @p1 .LBB1_3-.Ltmp3, $4  }
0x4f: {  	v14 =	vperm.xlane.i2c.b16 v2;
	v2 =	vcombine.low v13, v0;
	v4 =	vld [tilespmem:s18+$0xFFFFFFC0];
	s18 =	sadd.s32 $0x80, s18;
	[tilespmem:s17+$0x1020 ss:$0x81] =	vst.msk $0xffff, v6  }
0x50: {  	s20 =	sshra.s32 s19, $0x2;
	s19 =	smov.u32 s21;
	v1 =	vld [tilespmem:s18+$0x20];
	v6 =	vperm.xlane.i2c.b16 v11;
	v11 =	vcombine.low v12, v8;
	[tilespmem:s17+$0x3060 ss:$0x81] =	vst.msk $0xffff, v7  }
0x51: {  	s20 =	sadd.s32 s20, s15;
	v5 =	vld [tilespmem:s18+$0x30];
	v7 =	vperm.xlane.i2c.b16 v9;
	v9 =	vcombine.high v12, v8;
	[tilespmem:s17+$0x0 ss:$0x81] =	vst.msk $0xffff, v2  }
0x52: {  	s21 =	sadd.s32 $0x4, s21;
	v2 =	vld [tilespmem:s18+$0xFFFFFFD0];
	v8 =	vperm.xlane.i2c.b16 v10;
	[tilespmem:s20+$0x1830 ss:$0x81] =	vst.msk $0xffff, v11;
	v10 =	vcombine.high v13, v0;
	v0 =	vmov v14  }
.Ltmp4:
0x53: {  	_ = 	snop;
	(pc) =	sbr.rel .LBB1_4-.Ltmp4, $1  }
0x54: {  	_ =	sdelay $0x3  }
.LBB1_6:
0x55: {  	_ =	sfence.sel $0x180000  }
0x56: {  	s2 =	simm.s32 $0x1;
	[bflag:$0x0] =	sbarrier.arrive $0xFFFF  }
0x57: {  	s31 =	simm.s32 $0x2;
	[sflag:s2] =	ssyncpa.u1 $0x1  }
0x58: {  	[sflag:s31] =	ssyncpa.u1 $0x1  }
0x59: {  	p0 =	sne.s32 s1, $0x0;
	_ =	strace $0x90000050  }
0x5a: {  	s0 =	sadd.s32 @!p0 $0x100000, s0;
	[bflag:$0x2] =	sbarrier.arrive $0xFFFF  }
0x5b: {  	[sflag:s0] =	ssyncadd.tile.s32 @!p0 $0x1;
	_ =	shalt  }
.Lfunc_end1:
_tile_overlayer_lowered:
.L_overlay_start_2:
0x5c: {  	(tag) =	ssettag $0x2  }
0x5d: {  	s0 =	rddreg [dreg:$0x0];
	s2 =	stileid.u32  }
0x5e: {  	s1 =	rddreg [dreg:$0x1];
	p0 =	sne.s32 s2, $0x0  }
0x5f: {  	s3 =	rddreg [dreg:$0x2];
	[bflag:$0x3] =	sbarrier.arrive $0xFFFF;
	s2 =	simm.s32 @!p0 $0x1C01  }
0x60: {  	[timem:s3], [sflag:s2] =	dma.local @!p0 [hbm:s0], s1  }
0x61: {  	s0 =	simm.s32 @!p0 $0x1  }
0x62: {  	_ =	swait.ge @!p0 [sflag:s0], s1  }
0x63: {  	s1 =	ssub.s32 @!p0 $0x0, s1;
	[sflag:s0] =	ssyncset.done @!p0 $0x0  }
0x64: {  	[sflag:s0] =	ssyncadd.s32 @!p0 s1  }
0x65: {  	[bflag:$0x3] =	sbarrier.arrive $0xFFFF  }
0x66: {  	_ =	shalt  }

</sc_bundles>
